<compile_context>
chip_gen: v7x
topology: tpu7x:2x2x1
jax: 0.10.2.dev20260603
libtpu: 0.0.44.dev20260713+nightly
codegen_flags: <defaults>
</compile_context>

<pallas_src>
import jax
import jax.numpy as jnp
from jax import lax
from jax.experimental import pallas as pl
from jax.experimental.pallas import tpu as pltpu
from jax.experimental.pallas import tpu_sc as plsc

_B = 8
_C = 192
_G = 96
_HW = 224 * 224
_NW = 32
_RPW = (_B * _G) // _NW
_PAD = 48
_WINDOW = 8


def _sc_body(x_hbm, src_hbm, o1_hbm, o2_hbm, src_v, sem):
    wid = lax.axis_index("s") * 2 + lax.axis_index("c")
    base = wid * _RPW
    pltpu.sync_copy(src_hbm, src_v)

    def drain_one():
        pltpu.make_async_copy(x_hbm.at[0], o1_hbm.at[0], sem).wait()

    issued = 0
    drained = 0
    for o, o_hbm in enumerate((o1_hbm, o2_hbm)):
        for k in range(0, _RPW, 16):
            nval = min(16, _RPW - k)
            v = src_v[pl.ds(o * _NW * _PAD + wid * _PAD + k, 16)]
            for lane in range(nval):
                src = v[lane]
                dst = base + k + lane
                pltpu.async_copy(x_hbm.at[src], o_hbm.at[dst], sem)
                issued += 1
                if issued - drained > _WINDOW:
                    drain_one()
                    drained += 1
    for _ in range(issued - drained):
        drain_one()


def kernel(x, fp_index1, fp_index2):
    b, c, h, w = x.shape
    g = fp_index1.shape[0]
    hw = h * w
    xr = x.reshape(b * c, hw)

    idx = jnp.stack([fp_index1.astype(jnp.int32), fp_index2.astype(jnp.int32)])
    rows = jnp.arange(b * g, dtype=jnp.int32)
    srcs = rows[None, :] // g * c + idx[:, rows % g]
    srcs = srcs.reshape(2, _NW, _RPW)
    srcs = jnp.pad(srcs, ((0, 0), (0, 0), (0, _PAD - _RPW)))
    src_tab = srcs.reshape(-1)

    mesh = plsc.VectorSubcoreMesh(core_axis_name="c", subcore_axis_name="s")
    sc_kernel = pl.kernel(
        _sc_body,
        out_type=[
            jax.ShapeDtypeStruct((b * g, hw), x.dtype),
            jax.ShapeDtypeStruct((b * g, hw), x.dtype),
        ],
        mesh=mesh,
        scratch_types=[
            pltpu.VMEM((2 * _NW * _PAD,), jnp.int32),
            pltpu.SemaphoreType.DMA,
        ],
    )
    out1, out2 = sc_kernel(xr, src_tab)
    return out1.reshape(b, g, h, w), out2.reshape(b, g, h, w)

# --- scband reference (transcript-rebuilt; emitter-appended) ---
"""Pipeline reference for scband-channel-shuffle-35304631173675 (READ-ONLY COPY).

The authoritative reference and input builder live on the scoring server;
editing this copy changes nothing except your own understanding.
"""

import jax, jax.numpy as jnp
import numpy as np

IN_CHANNELS = 192
GROUPS = 2

def _make_indices(in_channels, groups):
    group_len = in_channels // groups
    out_channels = np.array(list(range(in_channels))).reshape(groups, group_len).transpose(1, 0).flatten()
    fp_index1 = jnp.asarray(out_channels[:group_len], dtype=jnp.int64)
    fp_index2 = jnp.asarray(out_channels[group_len:], dtype=jnp.int64)
    return fp_index1, fp_index2

def setup_inputs(seed: int = 0) -> dict:
    key = jax.random.key(seed)
    x = jax.random.normal(key, (8, IN_CHANNELS, 224, 224), dtype=jnp.float32)
    fp_index1, fp_index2 = _make_indices(IN_CHANNELS, GROUPS)
    return {"x": x, "fp_index1": fp_index1, "fp_index2": fp_index2}

def reference(x, fp_index1, fp_index2):
    # ChannelShuffle forward: two channel gathers (index_select along dim 1)
    out1 = jnp.take(x, fp_index1, axis=1)
    out2 = jnp.take(x, fp_index2, axis=1)
    return (out1, out2)

if __name__ == "__main__":
    import jax
    _d = setup_inputs()
    print(jax.jit(kernel)(*tuple(_d.values())))

</pallas_src>

<mosaic_0001>
#map = affine_map<(d0, d1) -> (0, 0)>
#map1 = affine_map<(d0, d1) -> (0)>
module attributes {stable_mosaic.version = 14 : i64} {
  func.func @_sc_body(%arg0: i32, %arg1: i32, %arg2: memref<1536x50176xf32, #tpu.memory_space<hbm>>, %arg3: memref<3072xi32, #tpu.memory_space<hbm>>, %arg4: memref<768x50176xf32, #tpu.memory_space<hbm>>, %arg5: memref<768x50176xf32, #tpu.memory_space<hbm>>, %arg6: memref<3072xi32, #tpu.memory_space<vmem>>, %arg7: memref<!tpu.dma_semaphore, #tpu.memory_space<semaphore_mem>>) attributes {dimension_semantics = [#tpu.dimension_semantics<core_parallel>, #tpu.dimension_semantics<subcore_parallel>], iteration_bounds = array<i64: 2, 16>, scalar_prefetch = 0 : i64, scratch_operands = 2 : i64, tpu.core_type = #tpu.core_type<sc_vector_subcore>, window_params = [{transform_indices = #map}, {transform_indices = #map1}, {transform_indices = #map}, {transform_indices = #map}]} {
    %mul3A = arith.constant 2 : i32
    %mul3A_0 = arith.muli %arg1, %mul3A : i32
    %add3A = arith.addi %mul3A_0, %arg0 : i32
    %mul3A_1 = arith.constant 24 : i32
    %mul3A_2 = arith.muli %add3A, %mul3A_1 : i32
    "tpu.region"() ({
      %run_scoped3A = tpu.sem_alloc : memref<!tpu.dma_semaphore, #tpu.memory_space<semaphore_mem>>
      tpu.enqueue_dma source(%arg3 : memref<3072xi32, #tpu.memory_space<hbm>>) target(%arg6 : memref<3072xi32, #tpu.memory_space<vmem>>) target_semaphore(%run_scoped3A : memref<!tpu.dma_semaphore, #tpu.memory_space<semaphore_mem>>)
      tpu.wait_dma2 semaphore(%run_scoped3A : memref<!tpu.dma_semaphore, #tpu.memory_space<semaphore_mem>>) src(%arg3 : memref<3072xi32, #tpu.memory_space<hbm>>) dst(%arg6 : memref<3072xi32, #tpu.memory_space<vmem>>)
      tpu.yield
    }) : () -> ()
    %mul3A_3 = arith.constant 48 : i32
    %mul3A_4 = arith.muli %add3A, %mul3A_3 : i32
    %add3A_5 = arith.constant 0 : i32
    %add3A_6 = arith.addi %add3A_5, %mul3A_4 : i32
    %add3A_7 = arith.constant 0 : i32
    %add3A_8 = arith.addi %add3A_6, %add3A_7 : i32
    %get3A = arith.index_cast %add3A_8 : i32 to index
    %get3A_9 = tpu.vector_load %arg6[%get3A] {strides = array<i32>} : memref<3072xi32, #tpu.memory_space<vmem>>, vector<16xi32>,
    %get3A_10 = vector.shape_cast %get3A_9 : vector<16xi32> to vector<16xi32>
    %slice3A = vector.extract_strided_slice %get3A_10 {offsets = [0], sizes = [1], strides = [1]} : vector<16xi32> to vector<1xi32>
    %squeeze3A = vector.extract %slice3A[0] : i32 from vector<1xi32>
    %add3A_11 = arith.constant 0 : i32
    %add3A_12 = arith.addi %mul3A_2, %add3A_11 : i32
    %add3A_13 = arith.constant 0 : i32
    %add3A_14 = arith.addi %add3A_12, %add3A_13 : i32
    %dma_start3A = arith.constant 0 : i32
    %dma_start3A_15 = tpu.memref_slice %arg4[%add3A_14, %dma_start3A] : memref<768x50176xf32, #tpu.memory_space<hbm>> -> memref<1x50176xf32, #tpu.memory_space<hbm>>
    %dma_start3A_16 = tpu.memref_squeeze %dma_start3A_15 : memref<1x50176xf32, #tpu.memory_space<hbm>> -> memref<50176xf32, #tpu.memory_space<hbm>>
    %dma_start3A_17 = arith.constant 0 : i32
    %dma_start3A_18 = tpu.memref_slice %arg2[%squeeze3A, %dma_start3A_17] : memref<1536x50176xf32, #tpu.memory_space<hbm>> -> memref<1x50176xf32, #tpu.memory_space<hbm>>
    %dma_start3A_19 = tpu.memref_squeeze %dma_start3A_18 : memref<1x50176xf32, #tpu.memory_space<hbm>> -> memref<50176xf32, #tpu.memory_space<hbm>>
    tpu.enqueue_dma source(%dma_start3A_19 : memref<50176xf32, #tpu.memory_space<hbm>>) target(%dma_start3A_16 : memref<50176xf32, #tpu.memory_space<hbm>>) target_semaphore(%arg7 : memref<!tpu.dma_semaphore, #tpu.memory_space<semaphore_mem>>)
    %slice3A_20 = vector.extract_strided_slice %get3A_10 {offsets = [1], sizes = [1], strides = [1]} : vector<16xi32> to vector<1xi32>
    %squeeze3A_21 = vector.extract %slice3A_20[0] : i32 from vector<1xi32>
    %add3A_22 = arith.constant 0 : i32
    %add3A_23 = arith.addi %mul3A_2, %add3A_22 : i32
    %add3A_24 = arith.constant 1 : i32
    %add3A_25 = arith.addi %add3A_23, %add3A_24 : i32
    %dma_start3A_26 = arith.constant 0 : i32
    %dma_start3A_27 = tpu.memref_slice %arg4[%add3A_25, %dma_start3A_26] : memref<768x50176xf32, #tpu.memory_space<hbm>> -> memref<1x50176xf32, #tpu.memory_space<hbm>>
    %dma_start3A_28 = tpu.memref_squeeze %dma_start3A_27 : memref<1x50176xf32, #tpu.memory_space<hbm>> -> memref<50176xf32, #tpu.memory_space<hbm>>
    %dma_start3A_29 = arith.constant 0 : i32
    %dma_start3A_30 = tpu.memref_slice %arg2[%squeeze3A_21, %dma_start3A_29] : memref<1536x50176xf32, #tpu.memory_space<hbm>> -> memref<1x50176xf32, #tpu.memory_space<hbm>>
    %dma_start3A_31 = tpu.memref_squeeze %dma_start3A_30 : memref<1x50176xf32, #tpu.memory_space<hbm>> -> memref<50176xf32, #tpu.memory_space<hbm>>
    tpu.enqueue_dma source(%dma_start3A_31 : memref<50176xf32, #tpu.memory_space<hbm>>) target(%dma_start3A_28 : memref<50176xf32, #tpu.memory_space<hbm>>) target_semaphore(%arg7 : memref<!tpu.dma_semaphore, #tpu.memory_space<semaphore_mem>>)
    %slice3A_32 = vector.extract_strided_slice %get3A_10 {offsets = [2], sizes = [1], strides = [1]} : vector<16xi32> to vector<1xi32>
    %squeeze3A_33 = vector.extract %slice3A_32[0] : i32 from vector<1xi32>
    %add3A_34 = arith.constant 0 : i32
    %add3A_35 = arith.addi %mul3A_2, %add3A_34 : i32
    %add3A_36 = arith.constant 2 : i32
    %add3A_37 = arith.addi %add3A_35, %add3A_36 : i32
    %dma_start3A_38 = arith.constant 0 : i32
    %dma_start3A_39 = tpu.memref_slice %arg4[%add3A_37, %dma_start3A_38] : memref<768x50176xf32, #tpu.memory_space<hbm>> -> memref<1x50176xf32, #tpu.memory_space<hbm>>
    %dma_start3A_40 = tpu.memref_squeeze %dma_start3A_39 : memref<1x50176xf32, #tpu.memory_space<hbm>> -> memref<50176xf32, #tpu.memory_space<hbm>>
    %dma_start3A_41 = arith.constant 0 : i32
    %dma_start3A_42 = tpu.memref_slice %arg2[%squeeze3A_33, %dma_start3A_41] : memref<1536x50176xf32, #tpu.memory_space<hbm>> -> memref<1x50176xf32, #tpu.memory_space<hbm>>
    %dma_start3A_43 = tpu.memref_squeeze %dma_start3A_42 : memref<1x50176xf32, #tpu.memory_space<hbm>> -> memref<50176xf32, #tpu.memory_space<hbm>>
    tpu.enqueue_dma source(%dma_start3A_43 : memref<50176xf32, #tpu.memory_space<hbm>>) target(%dma_start3A_40 : memref<50176xf32, #tpu.memory_space<hbm>>) target_semaphore(%arg7 : memref<!tpu.dma_semaphore, #tpu.memory_space<semaphore_mem>>)
    %slice3A_44 = vector.extract_strided_slice %get3A_10 {offsets = [3], sizes = [1], strides = [1]} : vector<16xi32> to vector<1xi32>
    %squeeze3A_45 = vector.extract %slice3A_44[0] : i32 from vector<1xi32>
    %add3A_46 = arith.constant 0 : i32
    %add3A_47 = arith.addi %mul3A_2, %add3A_46 : i32
    %add3A_48 = arith.constant 3 : i32
    %add3A_49 = arith.addi %add3A_47, %add3A_48 : i32
    %dma_start3A_50 = arith.constant 0 : i32
    %dma_start3A_51 = tpu.memref_slice %arg4[%add3A_49, %dma_start3A_50] : memref<768x50176xf32, #tpu.memory_space<hbm>> -> memref<1x50176xf32, #tpu.memory_space<hbm>>
    %dma_start3A_52 = tpu.memref_squeeze %dma_start3A_51 : memref<1x50176xf32, #tpu.memory_space<hbm>> -> memref<50176xf32, #tpu.memory_space<hbm>>
    %dma_start3A_53 = arith.constant 0 : i32
    %dma_start3A_54 = tpu.memref_slice %arg2[%squeeze3A_45, %dma_start3A_53] : memref<1536x50176xf32, #tpu.memory_space<hbm>> -> memref<1x50176xf32, #tpu.memory_space<hbm>>
    %dma_start3A_55 = tpu.memref_squeeze %dma_start3A_54 : memref<1x50176xf32, #tpu.memory_space<hbm>> -> memref<50176xf32, #tpu.memory_space<hbm>>
    tpu.enqueue_dma source(%dma_start3A_55 : memref<50176xf32, #tpu.memory_space<hbm>>) target(%dma_start3A_52 : memref<50176xf32, #tpu.memory_space<hbm>>) target_semaphore(%arg7 : memref<!tpu.dma_semaphore, #tpu.memory_space<semaphore_mem>>)
    %slice3A_56 = vector.extract_strided_slice %get3A_10 {offsets = [4], sizes = [1], strides = [1]} : vector<16xi32> to vector<1xi32>
    %squeeze3A_57 = vector.extract %slice3A_56[0] : i32 from vector<1xi32>
    %add3A_58 = arith.constant 0 : i32
    %add3A_59 = arith.addi %mul3A_2, %add3A_58 : i32
    %add3A_60 = arith.constant 4 : i32
    %add3A_61 = arith.addi %add3A_59, %add3A_60 : i32
    %dma_start3A_62 = arith.constant 0 : i32
    %dma_start3A_63 = tpu.memref_slice %arg4[%add3A_61, %dma_start3A_62] : memref<768x50176xf32, #tpu.memory_space<hbm>> -> memref<1x50176xf32, #tpu.memory_space<hbm>>
    %dma_start3A_64 = tpu.memref_squeeze %dma_start3A_63 : memref<1x50176xf32, #tpu.memory_space<hbm>> -> memref<50176xf32, #tpu.memory_space<hbm>>
    %dma_start3A_65 = arith.constant 0 : i32
    %dma_start3A_66 = tpu.memref_slice %arg2[%squeeze3A_57, %dma_start3A_65] : memref<1536x50176xf32, #tpu.memory_space<hbm>> -> memref<1x50176xf32, #tpu.memory_space<hbm>>
    %dma_start3A_67 = tpu.memref_squeeze %dma_start3A_66 : memref<1x50176xf32, #tpu.memory_space<hbm>> -> memref<50176xf32, #tpu.memory_space<hbm>>
    tpu.enqueue_dma source(%dma_start3A_67 : memref<50176xf32, #tpu.memory_space<hbm>>) target(%dma_start3A_64 : memref<50176xf32, #tpu.memory_space<hbm>>) target_semaphore(%arg7 : memref<!tpu.dma_semaphore, #tpu.memory_space<semaphore_mem>>)
    %slice3A_68 = vector.extract_strided_slice %get3A_10 {offsets = [5], sizes = [1], strides = [1]} : vector<16xi32> to vector<1xi32>
    %squeeze3A_69 = vector.extract %slice3A_68[0] : i32 from vector<1xi32>
    %add3A_70 = arith.constant 0 : i32
    %add3A_71 = arith.addi %mul3A_2, %add3A_70 : i32
    %add3A_72 = arith.constant 5 : i32
    %add3A_73 = arith.addi %add3A_71, %add3A_72 : i32
    %dma_start3A_74 = arith.constant 0 : i32
    %dma_start3A_75 = tpu.memref_slice %arg4[%add3A_73, %dma_start3A_74] : memref<768x50176xf32, #tpu.memory_space<hbm>> -> memref<1x50176xf32, #tpu.memory_space<hbm>>
    %dma_start3A_76 = tpu.memref_squeeze %dma_start3A_75 : memref<1x50176xf32, #tpu.memory_space<hbm>> -> memref<50176xf32, #tpu.memory_space<hbm>>
    %dma_start3A_77 = arith.constant 0 : i32
    %dma_start3A_78 = tpu.memref_slice %arg2[%squeeze3A_69, %dma_start3A_77] : memref<1536x50176xf32, #tpu.memory_space<hbm>> -> memref<1x50176xf32, #tpu.memory_space<hbm>>
    %dma_start3A_79 = tpu.memref_squeeze %dma_start3A_78 : memref<1x50176xf32, #tpu.memory_space<hbm>> -> memref<50176xf32, #tpu.memory_space<hbm>>
    tpu.enqueue_dma source(%dma_start3A_79 : memref<50176xf32, #tpu.memory_space<hbm>>) target(%dma_start3A_76 : memref<50176xf32, #tpu.memory_space<hbm>>) target_semaphore(%arg7 : memref<!tpu.dma_semaphore, #tpu.memory_space<semaphore_mem>>)
    %slice3A_80 = vector.extract_strided_slice %get3A_10 {offsets = [6], sizes = [1], strides = [1]} : vector<16xi32> to vector<1xi32>
    %squeeze3A_81 = vector.extract %slice3A_80[0] : i32 from vector<1xi32>
    %add3A_82 = arith.constant 0 : i32
    %add3A_83 = arith.addi %mul3A_2, %add3A_82 : i32
    %add3A_84 = arith.constant 6 : i32
    %add3A_85 = arith.addi %add3A_83, %add3A_84 : i32
    %dma_start3A_86 = arith.constant 0 : i32
    %dma_start3A_87 = tpu.memref_slice %arg4[%add3A_85, %dma_start3A_86] : memref<768x50176xf32, #tpu.memory_space<hbm>> -> memref<1x50176xf32, #tpu.memory_space<hbm>>
    %dma_start3A_88 = tpu.memref_squeeze %dma_start3A_87 : memref<1x50176xf32, #tpu.memory_space<hbm>> -> memref<50176xf32, #tpu.memory_space<hbm>>
    %dma_start3A_89 = arith.constant 0 : i32
    %dma_start3A_90 = tpu.memref_slice %arg2[%squeeze3A_81, %dma_start3A_89] : memref<1536x50176xf32, #tpu.memory_space<hbm>> -> memref<1x50176xf32, #tpu.memory_space<hbm>>
    %dma_start3A_91 = tpu.memref_squeeze %dma_start3A_90 : memref<1x50176xf32, #tpu.memory_space<hbm>> -> memref<50176xf32, #tpu.memory_space<hbm>>
    tpu.enqueue_dma source(%dma_start3A_91 : memref<50176xf32, #tpu.memory_space<hbm>>) target(%dma_start3A_88 : memref<50176xf32, #tpu.memory_space<hbm>>) target_semaphore(%arg7 : memref<!tpu.dma_semaphore, #tpu.memory_space<semaphore_mem>>)
    %slice3A_92 = vector.extract_strided_slice %get3A_10 {offsets = [7], sizes = [1], strides = [1]} : vector<16xi32> to vector<1xi32>
    %squeeze3A_93 = vector.extract %slice3A_92[0] : i32 from vector<1xi32>
    %add3A_94 = arith.constant 0 : i32
    %add3A_95 = arith.addi %mul3A_2, %add3A_94 : i32
    %add3A_96 = arith.constant 7 : i32
    %add3A_97 = arith.addi %add3A_95, %add3A_96 : i32
    %dma_start3A_98 = arith.constant 0 : i32
    %dma_start3A_99 = tpu.memref_slice %arg4[%add3A_97, %dma_start3A_98] : memref<768x50176xf32, #tpu.memory_space<hbm>> -> memref<1x50176xf32, #tpu.memory_space<hbm>>
    %dma_start3A_100 = tpu.memref_squeeze %dma_start3A_99 : memref<1x50176xf32, #tpu.memory_space<hbm>> -> memref<50176xf32, #tpu.memory_space<hbm>>
    %dma_start3A_101 = arith.constant 0 : i32
    %dma_start3A_102 = tpu.memref_slice %arg2[%squeeze3A_93, %dma_start3A_101] : memref<1536x50176xf32, #tpu.memory_space<hbm>> -> memref<1x50176xf32, #tpu.memory_space<hbm>>
    %dma_start3A_103 = tpu.memref_squeeze %dma_start3A_102 : memref<1x50176xf32, #tpu.memory_space<hbm>> -> memref<50176xf32, #tpu.memory_space<hbm>>
    tpu.enqueue_dma source(%dma_start3A_103 : memref<50176xf32, #tpu.memory_space<hbm>>) target(%dma_start3A_100 : memref<50176xf32, #tpu.memory_space<hbm>>) target_semaphore(%arg7 : memref<!tpu.dma_semaphore, #tpu.memory_space<semaphore_mem>>)
    %slice3A_104 = vector.extract_strided_slice %get3A_10 {offsets = [8], sizes = [1], strides = [1]} : vector<16xi32> to vector<1xi32>
    %squeeze3A_105 = vector.extract %slice3A_104[0] : i32 from vector<1xi32>
    %add3A_106 = arith.constant 0 : i32
    %add3A_107 = arith.addi %mul3A_2, %add3A_106 : i32
    %add3A_108 = arith.constant 8 : i32
    %add3A_109 = arith.addi %add3A_107, %add3A_108 : i32
    %dma_start3A_110 = arith.constant 0 : i32
    %dma_start3A_111 = tpu.memref_slice %arg4[%add3A_109, %dma_start3A_110] : memref<768x50176xf32, #tpu.memory_space<hbm>> -> memref<1x50176xf32, #tpu.memory_space<hbm>>
    %dma_start3A_112 = tpu.memref_squeeze %dma_start3A_111 : memref<1x50176xf32, #tpu.memory_space<hbm>> -> memref<50176xf32, #tpu.memory_space<hbm>>
    %dma_start3A_113 = arith.constant 0 : i32
    %dma_start3A_114 = tpu.memref_slice %arg2[%squeeze3A_105, %dma_start3A_113] : memref<1536x50176xf32, #tpu.memory_space<hbm>> -> memref<1x50176xf32, #tpu.memory_space<hbm>>
    %dma_start3A_115 = tpu.memref_squeeze %dma_start3A_114 : memref<1x50176xf32, #tpu.memory_space<hbm>> -> memref<50176xf32, #tpu.memory_space<hbm>>
    tpu.enqueue_dma source(%dma_start3A_115 : memref<50176xf32, #tpu.memory_space<hbm>>) target(%dma_start3A_112 : memref<50176xf32, #tpu.memory_space<hbm>>) target_semaphore(%arg7 : memref<!tpu.dma_semaphore, #tpu.memory_space<semaphore_mem>>)
    %dma_wait3A = arith.constant 0 : i32
    %dma_wait3A_116 = arith.constant 0 : i32
    %dma_wait3A_117 = arith.constant 0 : i32
    %dma_wait3A_118 = tpu.memref_slice %arg4[%dma_wait3A_116, %dma_wait3A_117] : memref<768x50176xf32, #tpu.memory_space<hbm>> -> memref<1x50176xf32, #tpu.memory_space<hbm>>
    %dma_wait3A_119 = tpu.memref_squeeze %dma_wait3A_118 : memref<1x50176xf32, #tpu.memory_space<hbm>> -> memref<50176xf32, #tpu.memory_space<hbm>>
    %dma_wait3A_120 = arith.constant 0 : i32
    %dma_wait3A_121 = tpu.memref_slice %arg2[%dma_wait3A, %dma_wait3A_120] : memref<1536x50176xf32, #tpu.memory_space<hbm>> -> memref<1x50176xf32, #tpu.memory_space<hbm>>
    %dma_wait3A_122 = tpu.memref_squeeze %dma_wait3A_121 : memref<1x50176xf32, #tpu.memory_space<hbm>> -> memref<50176xf32, #tpu.memory_space<hbm>>
    tpu.wait_dma2 semaphore(%arg7 : memref<!tpu.dma_semaphore, #tpu.memory_space<semaphore_mem>>) src(%dma_wait3A_122 : memref<50176xf32, #tpu.memory_space<hbm>>) dst(%dma_wait3A_119 : memref<50176xf32, #tpu.memory_space<hbm>>)
    %slice3A_123 = vector.extract_strided_slice %get3A_10 {offsets = [9], sizes = [1], strides = [1]} : vector<16xi32> to vector<1xi32>
    %squeeze3A_124 = vector.extract %slice3A_123[0] : i32 from vector<1xi32>
    %add3A_125 = arith.constant 0 : i32
    %add3A_126 = arith.addi %mul3A_2, %add3A_125 : i32
    %add3A_127 = arith.constant 9 : i32
    %add3A_128 = arith.addi %add3A_126, %add3A_127 : i32
    %dma_start3A_129 = arith.constant 0 : i32
    %dma_start3A_130 = tpu.memref_slice %arg4[%add3A_128, %dma_start3A_129] : memref<768x50176xf32, #tpu.memory_space<hbm>> -> memref<1x50176xf32, #tpu.memory_space<hbm>>
    %dma_start3A_131 = tpu.memref_squeeze %dma_start3A_130 : memref<1x50176xf32, #tpu.memory_space<hbm>> -> memref<50176xf32, #tpu.memory_space<hbm>>
    %dma_start3A_132 = arith.constant 0 : i32
    %dma_start3A_133 = tpu.memref_slice %arg2[%squeeze3A_124, %dma_start3A_132] : memref<1536x50176xf32, #tpu.memory_space<hbm>> -> memref<1x50176xf32, #tpu.memory_space<hbm>>
    %dma_start3A_134 = tpu.memref_squeeze %dma_start3A_133 : memref<1x50176xf32, #tpu.memory_space<hbm>> -> memref<50176xf32, #tpu.memory_space<hbm>>
    tpu.enqueue_dma source(%dma_start3A_134 : memref<50176xf32, #tpu.memory_space<hbm>>) target(%dma_start3A_131 : memref<50176xf32, #tpu.memory_space<hbm>>) target_semaphore(%arg7 : memref<!tpu.dma_semaphore, #tpu.memory_space<semaphore_mem>>)
    %dma_wait3A_135 = arith.constant 0 : i32
    %dma_wait3A_136 = arith.constant 0 : i32
    %dma_wait3A_137 = arith.constant 0 : i32
    %dma_wait3A_138 = tpu.memref_slice %arg4[%dma_wait3A_136, %dma_wait3A_137] : memref<768x50176xf32, #tpu.memory_space<hbm>> -> memref<1x50176xf32, #tpu.memory_space<hbm>>
    %dma_wait3A_139 = tpu.memref_squeeze %dma_wait3A_138 : memref<1x50176xf32, #tpu.memory_space<hbm>> -> memref<50176xf32, #tpu.memory_space<hbm>>
    %dma_wait3A_140 = arith.constant 0 : i32
    %dma_wait3A_141 = tpu.memref_slice %arg2[%dma_wait3A_135, %dma_wait3A_140] : memref<1536x50176xf32, #tpu.memory_space<hbm>> -> memref<1x50176xf32, #tpu.memory_space<hbm>>
    %dma_wait3A_142 = tpu.memref_squeeze %dma_wait3A_141 : memref<1x50176xf32, #tpu.memory_space<hbm>> -> memref<50176xf32, #tpu.memory_space<hbm>>
    tpu.wait_dma2 semaphore(%arg7 : memref<!tpu.dma_semaphore, #tpu.memory_space<semaphore_mem>>) src(%dma_wait3A_142 : memref<50176xf32, #tpu.memory_space<hbm>>) dst(%dma_wait3A_139 : memref<50176xf32, #tpu.memory_space<hbm>>)
    %slice3A_143 = vector.extract_strided_slice %get3A_10 {offsets = [10], sizes = [1], strides = [1]} : vector<16xi32> to vector<1xi32>
    %squeeze3A_144 = vector.extract %slice3A_143[0] : i32 from vector<1xi32>
    %add3A_145 = arith.constant 0 : i32
    %add3A_146 = arith.addi %mul3A_2, %add3A_145 : i32
    %add3A_147 = arith.constant 10 : i32
    %add3A_148 = arith.addi %add3A_146, %add3A_147 : i32
    %dma_start3A_149 = arith.constant 0 : i32
    %dma_start3A_150 = tpu.memref_slice %arg4[%add3A_148, %dma_start3A_149] : memref<768x50176xf32, #tpu.memory_space<hbm>> -> memref<1x50176xf32, #tpu.memory_space<hbm>>
    %dma_start3A_151 = tpu.memref_squeeze %dma_start3A_150 : memref<1x50176xf32, #tpu.memory_space<hbm>> -> memref<50176xf32, #tpu.memory_space<hbm>>
    %dma_start3A_152 = arith.constant 0 : i32
    %dma_start3A_153 = tpu.memref_slice %arg2[%squeeze3A_144, %dma_start3A_152] : memref<1536x50176xf32, #tpu.memory_space<hbm>> -> memref<1x50176xf32, #tpu.memory_space<hbm>>
    %dma_start3A_154 = tpu.memref_squeeze %dma_start3A_153 : memref<1x50176xf32, #tpu.memory_space<hbm>> -> memref<50176xf32, #tpu.memory_space<hbm>>
    tpu.enqueue_dma source(%dma_start3A_154 : memref<50176xf32, #tpu.memory_space<hbm>>) target(%dma_start3A_151 : memref<50176xf32, #tpu.memory_space<hbm>>) target_semaphore(%arg7 : memref<!tpu.dma_semaphore, #tpu.memory_space<semaphore_mem>>)
    %dma_wait3A_155 = arith.constant 0 : i32
    %dma_wait3A_156 = arith.constant 0 : i32
    %dma_wait3A_157 = arith.constant 0 : i32
    %dma_wait3A_158 = tpu.memref_slice %arg4[%dma_wait3A_156, %dma_wait3A_157] : memref<768x50176xf32, #tpu.memory_space<hbm>> -> memref<1x50176xf32, #tpu.memory_space<hbm>>
    %dma_wait3A_159 = tpu.memref_squeeze %dma_wait3A_158 : memref<1x50176xf32, #tpu.memory_space<hbm>> -> memref<50176xf32, #tpu.memory_space<hbm>>
    %dma_wait3A_160 = arith.constant 0 : i32
    %dma_wait3A_161 = tpu.memref_slice %arg2[%dma_wait3A_155, %dma_wait3A_160] : memref<1536x50176xf32, #tpu.memory_space<hbm>> -> memref<1x50176xf32, #tpu.memory_space<hbm>>
    %dma_wait3A_162 = tpu.memref_squeeze %dma_wait3A_161 : memref<1x50176xf32, #tpu.memory_space<hbm>> -> memref<50176xf32, #tpu.memory_space<hbm>>
    tpu.wait_dma2 semaphore(%arg7 : memref<!tpu.dma_semaphore, #tpu.memory_space<semaphore_mem>>) src(%dma_wait3A_162 : memref<50176xf32, #tpu.memory_space<hbm>>) dst(%dma_wait3A_159 : memref<50176xf32, #tpu.memory_space<hbm>>)
    %slice3A_163 = vector.extract_strided_slice %get3A_10 {offsets = [11], sizes = [1], strides = [1]} : vector<16xi32> to vector<1xi32>
    %squeeze3A_164 = vector.extract %slice3A_163[0] : i32 from vector<1xi32>
    %add3A_165 = arith.constant 0 : i32
    %add3A_166 = arith.addi %mul3A_2, %add3A_165 : i32
    %add3A_167 = arith.constant 11 : i32
    %add3A_168 = arith.addi %add3A_166, %add3A_167 : i32
    %dma_start3A_169 = arith.constant 0 : i32
    %dma_start3A_170 = tpu.memref_slice %arg4[%add3A_168, %dma_start3A_169] : memref<768x50176xf32, #tpu.memory_space<hbm>> -> memref<1x50176xf32, #tpu.memory_space<hbm>>
    %dma_start3A_171 = tpu.memref_squeeze %dma_start3A_170 : memref<1x50176xf32, #tpu.memory_space<hbm>> -> memref<50176xf32, #tpu.memory_space<hbm>>
    %dma_start3A_172 = arith.constant 0 : i32
    %dma_start3A_173 = tpu.memref_slice %arg2[%squeeze3A_164, %dma_start3A_172] : memref<1536x50176xf32, #tpu.memory_space<hbm>> -> memref<1x50176xf32, #tpu.memory_space<hbm>>
    %dma_start3A_174 = tpu.memref_squeeze %dma_start3A_173 : memref<1x50176xf32, #tpu.memory_space<hbm>> -> memref<50176xf32, #tpu.memory_space<hbm>>
    tpu.enqueue_dma source(%dma_start3A_174 : memref<50176xf32, #tpu.memory_space<hbm>>) target(%dma_start3A_171 : memref<50176xf32, #tpu.memory_space<hbm>>) target_semaphore(%arg7 : memref<!tpu.dma_semaphore, #tpu.memory_space<semaphore_mem>>)
    %dma_wait3A_175 = arith.constant 0 : i32
    %dma_wait3A_176 = arith.constant 0 : i32
    %dma_wait3A_177 = arith.constant 0 : i32
    %dma_wait3A_178 = tpu.memref_slice %arg4[%dma_wait3A_176, %dma_wait3A_177] : memref<768x50176xf32, #tpu.memory_space<hbm>> -> memref<1x50176xf32, #tpu.memory_space<hbm>>
    %dma_wait3A_179 = tpu.memref_squeeze %dma_wait3A_178 : memref<1x50176xf32, #tpu.memory_space<hbm>> -> memref<50176xf32, #tpu.memory_space<hbm>>
    %dma_wait3A_180 = arith.constant 0 : i32
    %dma_wait3A_181 = tpu.memref_slice %arg2[%dma_wait3A_175, %dma_wait3A_180] : memref<1536x50176xf32, #tpu.memory_space<hbm>> -> memref<1x50176xf32, #tpu.memory_space<hbm>>
    %dma_wait3A_182 = tpu.memref_squeeze %dma_wait3A_181 : memref<1x50176xf32, #tpu.memory_space<hbm>> -> memref<50176xf32, #tpu.memory_space<hbm>>
    tpu.wait_dma2 semaphore(%arg7 : memref<!tpu.dma_semaphore, #tpu.memory_space<semaphore_mem>>) src(%dma_wait3A_182 : memref<50176xf32, #tpu.memory_space<hbm>>) dst(%dma_wait3A_179 : memref<50176xf32, #tpu.memory_space<hbm>>)
    %slice3A_183 = vector.extract_strided_slice %get3A_10 {offsets = [12], sizes = [1], strides = [1]} : vector<16xi32> to vector<1xi32>
    %squeeze3A_184 = vector.extract %slice3A_183[0] : i32 from vector<1xi32>
    %add3A_185 = arith.constant 0 : i32
    %add3A_186 = arith.addi %mul3A_2, %add3A_185 : i32
    %add3A_187 = arith.constant 12 : i32
    %add3A_188 = arith.addi %add3A_186, %add3A_187 : i32
    %dma_start3A_189 = arith.constant 0 : i32
    %dma_start3A_190 = tpu.memref_slice %arg4[%add3A_188, %dma_start3A_189] : memref<768x50176xf32, #tpu.memory_space<hbm>> -> memref<1x50176xf32, #tpu.memory_space<hbm>>
    %dma_start3A_191 = tpu.memref_squeeze %dma_start3A_190 : memref<1x50176xf32, #tpu.memory_space<hbm>> -> memref<50176xf32, #tpu.memory_space<hbm>>
    %dma_start3A_192 = arith.constant 0 : i32
    %dma_start3A_193 = tpu.memref_slice %arg2[%squeeze3A_184, %dma_start3A_192] : memref<1536x50176xf32, #tpu.memory_space<hbm>> -> memref<1x50176xf32, #tpu.memory_space<hbm>>
    %dma_start3A_194 = tpu.memref_squeeze %dma_start3A_193 : memref<1x50176xf32, #tpu.memory_space<hbm>> -> memref<50176xf32, #tpu.memory_space<hbm>>
    tpu.enqueue_dma source(%dma_start3A_194 : memref<50176xf32, #tpu.memory_space<hbm>>) target(%dma_start3A_191 : memref<50176xf32, #tpu.memory_space<hbm>>) target_semaphore(%arg7 : memref<!tpu.dma_semaphore, #tpu.memory_space<semaphore_mem>>)
    %dma_wait3A_195 = arith.constant 0 : i32
    %dma_wait3A_196 = arith.constant 0 : i32
    %dma_wait3A_197 = arith.constant 0 : i32
    %dma_wait3A_198 = tpu.memref_slice %arg4[%dma_wait3A_196, %dma_wait3A_197] : memref<768x50176xf32, #tpu.memory_space<hbm>> -> memref<1x50176xf32, #tpu.memory_space<hbm>>
    %dma_wait3A_199 = tpu.memref_squeeze %dma_wait3A_198 : memref<1x50176xf32, #tpu.memory_space<hbm>> -> memref<50176xf32, #tpu.memory_space<hbm>>
    %dma_wait3A_200 = arith.constant 0 : i32
    %dma_wait3A_201 = tpu.memref_slice %arg2[%dma_wait3A_195, %dma_wait3A_200] : memref<1536x50176xf32, #tpu.memory_space<hbm>> -> memref<1x50176xf32, #tpu.memory_space<hbm>>
    %dma_wait3A_202 = tpu.memref_squeeze %dma_wait3A_201 : memref<1x50176xf32, #tpu.memory_space<hbm>> -> memref<50176xf32, #tpu.memory_space<hbm>>
    tpu.wait_dma2 semaphore(%arg7 : memref<!tpu.dma_semaphore, #tpu.memory_space<semaphore_mem>>) src(%dma_wait3A_202 : memref<50176xf32, #tpu.memory_space<hbm>>) dst(%dma_wait3A_199 : memref<50176xf32, #tpu.memory_space<hbm>>)
    %slice3A_203 = vector.extract_strided_slice %get3A_10 {offsets = [13], sizes = [1], strides = [1]} : vector<16xi32> to vector<1xi32>
    %squeeze3A_204 = vector.extract %slice3A_203[0] : i32 from vector<1xi32>
    %add3A_205 = arith.constant 0 : i32
    %add3A_206 = arith.addi %mul3A_2, %add3A_205 : i32
    %add3A_207 = arith.constant 13 : i32
    %add3A_208 = arith.addi %add3A_206, %add3A_207 : i32
    %dma_start3A_209 = arith.constant 0 : i32
    %dma_start3A_210 = tpu.memref_slice %arg4[%add3A_208, %dma_start3A_209] : memref<768x50176xf32, #tpu.memory_space<hbm>> -> memref<1x50176xf32, #tpu.memory_space<hbm>>
    %dma_start3A_211 = tpu.memref_squeeze %dma_start3A_210 : memref<1x50176xf32, #tpu.memory_space<hbm>> -> memref<50176xf32, #tpu.memory_space<hbm>>
    %dma_start3A_212 = arith.constant 0 : i32
    %dma_start3A_213 = tpu.memref_slice %arg2[%squeeze3A_204, %dma_start3A_212] : memref<1536x50176xf32, #tpu.memory_space<hbm>> -> memref<1x50176xf32, #tpu.memory_space<hbm>>
    %dma_start3A_214 = tpu.memref_squeeze %dma_start3A_213 : memref<1x50176xf32, #tpu.memory_space<hbm>> -> memref<50176xf32, #tpu.memory_space<hbm>>
    tpu.enqueue_dma source(%dma_start3A_214 : memref<50176xf32, #tpu.memory_space<hbm>>) target(%dma_start3A_211 : memref<50176xf32, #tpu.memory_space<hbm>>) target_semaphore(%arg7 : memref<!tpu.dma_semaphore, #tpu.memory_space<semaphore_mem>>)
    %dma_wait3A_215 = arith.constant 0 : i32
    %dma_wait3A_216 = arith.constant 0 : i32
    %dma_wait3A_217 = arith.constant 0 : i32
    %dma_wait3A_218 = tpu.memref_slice %arg4[%dma_wait3A_216, %dma_wait3A_217] : memref<768x50176xf32, #tpu.memory_space<hbm>> -> memref<1x50176xf32, #tpu.memory_space<hbm>>
    %dma_wait3A_219 = tpu.memref_squeeze %dma_wait3A_218 : memref<1x50176xf32, #tpu.memory_space<hbm>> -> memref<50176xf32, #tpu.memory_space<hbm>>
    %dma_wait3A_220 = arith.constant 0 : i32
    %dma_wait3A_221 = tpu.memref_slice %arg2[%dma_wait3A_215, %dma_wait3A_220] : memref<1536x50176xf32, #tpu.memory_space<hbm>> -> memref<1x50176xf32, #tpu.memory_space<hbm>>
    %dma_wait3A_222 = tpu.memref_squeeze %dma_wait3A_221 : memref<1x50176xf32, #tpu.memory_space<hbm>> -> memref<50176xf32, #tpu.memory_space<hbm>>
    tpu.wait_dma2 semaphore(%arg7 : memref<!tpu.dma_semaphore, #tpu.memory_space<semaphore_mem>>) src(%dma_wait3A_222 : memref<50176xf32, #tpu.memory_space<hbm>>) dst(%dma_wait3A_219 : memref<50176xf32, #tpu.memory_space<hbm>>)
    %slice3A_223 = vector.extract_strided_slice %get3A_10 {offsets = [14], sizes = [1], strides = [1]} : vector<16xi32> to vector<1xi32>
    %squeeze3A_224 = vector.extract %slice3A_223[0] : i32 from vector<1xi32>
    %add3A_225 = arith.constant 0 : i32
    %add3A_226 = arith.addi %mul3A_2, %add3A_225 : i32
    %add3A_227 = arith.constant 14 : i32
    %add3A_228 = arith.addi %add3A_226, %add3A_227 : i32
    %dma_start3A_229 = arith.constant 0 : i32
    %dma_start3A_230 = tpu.memref_slice %arg4[%add3A_228, %dma_start3A_229] : memref<768x50176xf32, #tpu.memory_space<hbm>> -> memref<1x50176xf32, #tpu.memory_space<hbm>>
    %dma_start3A_231 = tpu.memref_squeeze %dma_start3A_230 : memref<1x50176xf32, #tpu.memory_space<hbm>> -> memref<50176xf32, #tpu.memory_space<hbm>>
    %dma_start3A_232 = arith.constant 0 : i32
    %dma_start3A_233 = tpu.memref_slice %arg2[%squeeze3A_224, %dma_start3A_232] : memref<1536x50176xf32, #tpu.memory_space<hbm>> -> memref<1x50176xf32, #tpu.memory_space<hbm>>
    %dma_start3A_234 = tpu.memref_squeeze %dma_start3A_233 : memref<1x50176xf32, #tpu.memory_space<hbm>> -> memref<50176xf32, #tpu.memory_space<hbm>>
    tpu.enqueue_dma source(%dma_start3A_234 : memref<50176xf32, #tpu.memory_space<hbm>>) target(%dma_start3A_231 : memref<50176xf32, #tpu.memory_space<hbm>>) target_semaphore(%arg7 : memref<!tpu.dma_semaphore, #tpu.memory_space<semaphore_mem>>)
    %dma_wait3A_235 = arith.constant 0 : i32
    %dma_wait3A_236 = arith.constant 0 : i32
    %dma_wait3A_237 = arith.constant 0 : i32
    %dma_wait3A_238 = tpu.memref_slice %arg4[%dma_wait3A_236, %dma_wait3A_237] : memref<768x50176xf32, #tpu.memory_space<hbm>> -> memref<1x50176xf32, #tpu.memory_space<hbm>>
    %dma_wait3A_239 = tpu.memref_squeeze %dma_wait3A_238 : memref<1x50176xf32, #tpu.memory_space<hbm>> -> memref<50176xf32, #tpu.memory_space<hbm>>
    %dma_wait3A_240 = arith.constant 0 : i32
    %dma_wait3A_241 = tpu.memref_slice %arg2[%dma_wait3A_235, %dma_wait3A_240] : memref<1536x50176xf32, #tpu.memory_space<hbm>> -> memref<1x50176xf32, #tpu.memory_space<hbm>>
    %dma_wait3A_242 = tpu.memref_squeeze %dma_wait3A_241 : memref<1x50176xf32, #tpu.memory_space<hbm>> -> memref<50176xf32, #tpu.memory_space<hbm>>
    tpu.wait_dma2 semaphore(%arg7 : memref<!tpu.dma_semaphore, #tpu.memory_space<semaphore_mem>>) src(%dma_wait3A_242 : memref<50176xf32, #tpu.memory_space<hbm>>) dst(%dma_wait3A_239 : memref<50176xf32, #tpu.memory_space<hbm>>)
    %slice3A_243 = vector.extract_strided_slice %get3A_10 {offsets = [15], sizes = [1], strides = [1]} : vector<16xi32> to vector<1xi32>
    %squeeze3A_244 = vector.extract %slice3A_243[0] : i32 from vector<1xi32>
    %add3A_245 = arith.constant 0 : i32
    %add3A_246 = arith.addi %mul3A_2, %add3A_245 : i32
    %add3A_247 = arith.constant 15 : i32
    %add3A_248 = arith.addi %add3A_246, %add3A_247 : i32
    %dma_start3A_249 = arith.constant 0 : i32
    %dma_start3A_250 = tpu.memref_slice %arg4[%add3A_248, %dma_start3A_249] : memref<768x50176xf32, #tpu.memory_space<hbm>> -> memref<1x50176xf32, #tpu.memory_space<hbm>>
    %dma_start3A_251 = tpu.memref_squeeze %dma_start3A_250 : memref<1x50176xf32, #tpu.memory_space<hbm>> -> memref<50176xf32, #tpu.memory_space<hbm>>
    %dma_start3A_252 = arith.constant 0 : i32
    %dma_start3A_253 = tpu.memref_slice %arg2[%squeeze3A_244, %dma_start3A_252] : memref<1536x50176xf32, #tpu.memory_space<hbm>> -> memref<1x50176xf32, #tpu.memory_space<hbm>>
    %dma_start3A_254 = tpu.memref_squeeze %dma_start3A_253 : memref<1x50176xf32, #tpu.memory_space<hbm>> -> memref<50176xf32, #tpu.memory_space<hbm>>
    tpu.enqueue_dma source(%dma_start3A_254 : memref<50176xf32, #tpu.memory_space<hbm>>) target(%dma_start3A_251 : memref<50176xf32, #tpu.memory_space<hbm>>) target_semaphore(%arg7 : memref<!tpu.dma_semaphore, #tpu.memory_space<semaphore_mem>>)
    %dma_wait3A_255 = arith.constant 0 : i32
    %dma_wait3A_256 = arith.constant 0 : i32
    %dma_wait3A_257 = arith.constant 0 : i32
    %dma_wait3A_258 = tpu.memref_slice %arg4[%dma_wait3A_256, %dma_wait3A_257] : memref<768x50176xf32, #tpu.memory_space<hbm>> -> memref<1x50176xf32, #tpu.memory_space<hbm>>
    %dma_wait3A_259 = tpu.memref_squeeze %dma_wait3A_258 : memref<1x50176xf32, #tpu.memory_space<hbm>> -> memref<50176xf32, #tpu.memory_space<hbm>>
    %dma_wait3A_260 = arith.constant 0 : i32
    %dma_wait3A_261 = tpu.memref_slice %arg2[%dma_wait3A_255, %dma_wait3A_260] : memref<1536x50176xf32, #tpu.memory_space<hbm>> -> memref<1x50176xf32, #tpu.memory_space<hbm>>
    %dma_wait3A_262 = tpu.memref_squeeze %dma_wait3A_261 : memref<1x50176xf32, #tpu.memory_space<hbm>> -> memref<50176xf32, #tpu.memory_space<hbm>>
    tpu.wait_dma2 semaphore(%arg7 : memref<!tpu.dma_semaphore, #tpu.memory_space<semaphore_mem>>) src(%dma_wait3A_262 : memref<50176xf32, #tpu.memory_space<hbm>>) dst(%dma_wait3A_259 : memref<50176xf32, #tpu.memory_space<hbm>>)
    %mul3A_263 = arith.constant 48 : i32
    %mul3A_264 = arith.muli %add3A, %mul3A_263 : i32
    %add3A_265 = arith.constant 0 : i32
    %add3A_266 = arith.addi %add3A_265, %mul3A_264 : i32
    %add3A_267 = arith.constant 16 : i32
    %add3A_268 = arith.addi %add3A_266, %add3A_267 : i32
    %get3A_269 = arith.index_cast %add3A_268 : i32 to index
    %get3A_270 = tpu.vector_load %arg6[%get3A_269] {strides = array<i32>} : memref<3072xi32, #tpu.memory_space<vmem>>, vector<16xi32>,
    %get3A_271 = vector.shape_cast %get3A_270 : vector<16xi32> to vector<16xi32>
    %slice3A_272 = vector.extract_strided_slice %get3A_271 {offsets = [0], sizes = [1], strides = [1]} : vector<16xi32> to vector<1xi32>
    %squeeze3A_273 = vector.extract %slice3A_272[0] : i32 from vector<1xi32>
    %add3A_274 = arith.constant 16 : i32
    %add3A_275 = arith.addi %mul3A_2, %add3A_274 : i32
    %add3A_276 = arith.constant 0 : i32
    %add3A_277 = arith.addi %add3A_275, %add3A_276 : i32
    %dma_start3A_278 = arith.constant 0 : i32
    %dma_start3A_279 = tpu.memref_slice %arg4[%add3A_277, %dma_start3A_278] : memref<768x50176xf32, #tpu.memory_space<hbm>> -> memref<1x50176xf32, #tpu.memory_space<hbm>>
    %dma_start3A_280 = tpu.memref_squeeze %dma_start3A_279 : memref<1x50176xf32, #tpu.memory_space<hbm>> -> memref<50176xf32, #tpu.memory_space<hbm>>
    %dma_start3A_281 = arith.constant 0 : i32
    %dma_start3A_282 = tpu.memref_slice %arg2[%squeeze3A_273, %dma_start3A_281] : memref<1536x50176xf32, #tpu.memory_space<hbm>> -> memref<1x50176xf32, #tpu.memory_space<hbm>>
    %dma_start3A_283 = tpu.memref_squeeze %dma_start3A_282 : memref<1x50176xf32, #tpu.memory_space<hbm>> -> memref<50176xf32, #tpu.memory_space<hbm>>
    tpu.enqueue_dma source(%dma_start3A_283 : memref<50176xf32, #tpu.memory_space<hbm>>) target(%dma_start3A_280 : memref<50176xf32, #tpu.memory_space<hbm>>) target_semaphore(%arg7 : memref<!tpu.dma_semaphore, #tpu.memory_space<semaphore_mem>>)
    %dma_wait3A_284 = arith.constant 0 : i32
    %dma_wait3A_285 = arith.constant 0 : i32
    %dma_wait3A_286 = arith.constant 0 : i32
    %dma_wait3A_287 = tpu.memref_slice %arg4[%dma_wait3A_285, %dma_wait3A_286] : memref<768x50176xf32, #tpu.memory_space<hbm>> -> memref<1x50176xf32, #tpu.memory_space<hbm>>
    %dma_wait3A_288 = tpu.memref_squeeze %dma_wait3A_287 : memref<1x50176xf32, #tpu.memory_space<hbm>> -> memref<50176xf32, #tpu.memory_space<hbm>>
    %dma_wait3A_289 = arith.constant 0 : i32
    %dma_wait3A_290 = tpu.memref_slice %arg2[%dma_wait3A_284, %dma_wait3A_289] : memref<1536x50176xf32, #tpu.memory_space<hbm>> -> memref<1x50176xf32, #tpu.memory_space<hbm>>
    %dma_wait3A_291 = tpu.memref_squeeze %dma_wait3A_290 : memref<1x50176xf32, #tpu.memory_space<hbm>> -> memref<50176xf32, #tpu.memory_space<hbm>>
    tpu.wait_dma2 semaphore(%arg7 : memref<!tpu.dma_semaphore, #tpu.memory_space<semaphore_mem>>) src(%dma_wait3A_291 : memref<50176xf32, #tpu.memory_space<hbm>>) dst(%dma_wait3A_288 : memref<50176xf32, #tpu.memory_space<hbm>>)
    %slice3A_292 = vector.extract_strided_slice %get3A_271 {offsets = [1], sizes = [1], strides = [1]} : vector<16xi32> to vector<1xi32>
    %squeeze3A_293 = vector.extract %slice3A_292[0] : i32 from vector<1xi32>
    %add3A_294 = arith.constant 16 : i32
    %add3A_295 = arith.addi %mul3A_2, %add3A_294 : i32
    %add3A_296 = arith.constant 1 : i32
    %add3A_297 = arith.addi %add3A_295, %add3A_296 : i32
    %dma_start3A_298 = arith.constant 0 : i32
    %dma_start3A_299 = tpu.memref_slice %arg4[%add3A_297, %dma_start3A_298] : memref<768x50176xf32, #tpu.memory_space<hbm>> -> memref<1x50176xf32, #tpu.memory_space<hbm>>
    %dma_start3A_300 = tpu.memref_squeeze %dma_start3A_299 : memref<1x50176xf32, #tpu.memory_space<hbm>> -> memref<50176xf32, #tpu.memory_space<hbm>>
    %dma_start3A_301 = arith.constant 0 : i32
    %dma_start3A_302 = tpu.memref_slice %arg2[%squeeze3A_293, %dma_start3A_301] : memref<1536x50176xf32, #tpu.memory_space<hbm>> -> memref<1x50176xf32, #tpu.memory_space<hbm>>
    %dma_start3A_303 = tpu.memref_squeeze %dma_start3A_302 : memref<1x50176xf32, #tpu.memory_space<hbm>> -> memref<50176xf32, #tpu.memory_space<hbm>>
    tpu.enqueue_dma source(%dma_start3A_303 : memref<50176xf32, #tpu.memory_space<hbm>>) target(%dma_start3A_300 : memref<50176xf32, #tpu.memory_space<hbm>>) target_semaphore(%arg7 : memref<!tpu.dma_semaphore, #tpu.memory_space<semaphore_mem>>)
    %dma_wait3A_304 = arith.constant 0 : i32
    %dma_wait3A_305 = arith.constant 0 : i32
    %dma_wait3A_306 = arith.constant 0 : i32
    %dma_wait3A_307 = tpu.memref_slice %arg4[%dma_wait3A_305, %dma_wait3A_306] : memref<768x50176xf32, #tpu.memory_space<hbm>> -> memref<1x50176xf32, #tpu.memory_space<hbm>>
    %dma_wait3A_308 = tpu.memref_squeeze %dma_wait3A_307 : memref<1x50176xf32, #tpu.memory_space<hbm>> -> memref<50176xf32, #tpu.memory_space<hbm>>
    %dma_wait3A_309 = arith.constant 0 : i32
    %dma_wait3A_310 = tpu.memref_slice %arg2[%dma_wait3A_304, %dma_wait3A_309] : memref<1536x50176xf32, #tpu.memory_space<hbm>> -> memref<1x50176xf32, #tpu.memory_space<hbm>>
    %dma_wait3A_311 = tpu.memref_squeeze %dma_wait3A_310 : memref<1x50176xf32, #tpu.memory_space<hbm>> -> memref<50176xf32, #tpu.memory_space<hbm>>
    tpu.wait_dma2 semaphore(%arg7 : memref<!tpu.dma_semaphore, #tpu.memory_space<semaphore_mem>>) src(%dma_wait3A_311 : memref<50176xf32, #tpu.memory_space<hbm>>) dst(%dma_wait3A_308 : memref<50176xf32, #tpu.memory_space<hbm>>)
    %slice3A_312 = vector.extract_strided_slice %get3A_271 {offsets = [2], sizes = [1], strides = [1]} : vector<16xi32> to vector<1xi32>
    %squeeze3A_313 = vector.extract %slice3A_312[0] : i32 from vector<1xi32>
    %add3A_314 = arith.constant 16 : i32
    %add3A_315 = arith.addi %mul3A_2, %add3A_314 : i32
    %add3A_316 = arith.constant 2 : i32
    %add3A_317 = arith.addi %add3A_315, %add3A_316 : i32
    %dma_start3A_318 = arith.constant 0 : i32
    %dma_start3A_319 = tpu.memref_slice %arg4[%add3A_317, %dma_start3A_318] : memref<768x50176xf32, #tpu.memory_space<hbm>> -> memref<1x50176xf32, #tpu.memory_space<hbm>>
    %dma_start3A_320 = tpu.memref_squeeze %dma_start3A_319 : memref<1x50176xf32, #tpu.memory_space<hbm>> -> memref<50176xf32, #tpu.memory_space<hbm>>
    %dma_start3A_321 = arith.constant 0 : i32
    %dma_start3A_322 = tpu.memref_slice %arg2[%squeeze3A_313, %dma_start3A_321] : memref<1536x50176xf32, #tpu.memory_space<hbm>> -> memref<1x50176xf32, #tpu.memory_space<hbm>>
    %dma_start3A_323 = tpu.memref_squeeze %dma_start3A_322 : memref<1x50176xf32, #tpu.memory_space<hbm>> -> memref<50176xf32, #tpu.memory_space<hbm>>
    tpu.enqueue_dma source(%dma_start3A_323 : memref<50176xf32, #tpu.memory_space<hbm>>) target(%dma_start3A_320 : memref<50176xf32, #tpu.memory_space<hbm>>) target_semaphore(%arg7 : memref<!tpu.dma_semaphore, #tpu.memory_space<semaphore_mem>>)
    %dma_wait3A_324 = arith.constant 0 : i32
    %dma_wait3A_325 = arith.constant 0 : i32
    %dma_wait3A_326 = arith.constant 0 : i32
    %dma_wait3A_327 = tpu.memref_slice %arg4[%dma_wait3A_325, %dma_wait3A_326] : memref<768x50176xf32, #tpu.memory_space<hbm>> -> memref<1x50176xf32, #tpu.memory_space<hbm>>
    %dma_wait3A_328 = tpu.memref_squeeze %dma_wait3A_327 : memref<1x50176xf32, #tpu.memory_space<hbm>> -> memref<50176xf32, #tpu.memory_space<hbm>>
    %dma_wait3A_329 = arith.constant 0 : i32
    %dma_wait3A_330 = tpu.memref_slice %arg2[%dma_wait3A_324, %dma_wait3A_329] : memref<1536x50176xf32, #tpu.memory_space<hbm>> -> memref<1x50176xf32, #tpu.memory_space<hbm>>
    %dma_wait3A_331 = tpu.memref_squeeze %dma_wait3A_330 : memref<1x50176xf32, #tpu.memory_space<hbm>> -> memref<50176xf32, #tpu.memory_space<hbm>>
    tpu.wait_dma2 semaphore(%arg7 : memref<!tpu.dma_semaphore, #tpu.memory_space<semaphore_mem>>) src(%dma_wait3A_331 : memref<50176xf32, #tpu.memory_space<hbm>>) dst(%dma_wait3A_328 : memref<50176xf32, #tpu.memory_space<hbm>>)
    %slice3A_332 = vector.extract_strided_slice %get3A_271 {offsets = [3], sizes = [1], strides = [1]} : vector<16xi32> to vector<1xi32>
    %squeeze3A_333 = vector.extract %slice3A_332[0] : i32 from vector<1xi32>
    %add3A_334 = arith.constant 16 : i32
    %add3A_335 = arith.addi %mul3A_2, %add3A_334 : i32
    %add3A_336 = arith.constant 3 : i32
    %add3A_337 = arith.addi %add3A_335, %add3A_336 : i32
    %dma_start3A_338 = arith.constant 0 : i32
    %dma_start3A_339 = tpu.memref_slice %arg4[%add3A_337, %dma_start3A_338] : memref<768x50176xf32, #tpu.memory_space<hbm>> -> memref<1x50176xf32, #tpu.memory_space<hbm>>
    %dma_start3A_340 = tpu.memref_squeeze %dma_start3A_339 : memref<1x50176xf32, #tpu.memory_space<hbm>> -> memref<50176xf32, #tpu.memory_space<hbm>>
    %dma_start3A_341 = arith.constant 0 : i32
    %dma_start3A_342 = tpu.memref_slice %arg2[%squeeze3A_333, %dma_start3A_341] : memref<1536x50176xf32, #tpu.memory_space<hbm>> -> memref<1x50176xf32, #tpu.memory_space<hbm>>
    %dma_start3A_343 = tpu.memref_squeeze %dma_start3A_342 : memref<1x50176xf32, #tpu.memory_space<hbm>> -> memref<50176xf32, #tpu.memory_space<hbm>>
    tpu.enqueue_dma source(%dma_start3A_343 : memref<50176xf32, #tpu.memory_space<hbm>>) target(%dma_start3A_340 : memref<50176xf32, #tpu.memory_space<hbm>>) target_semaphore(%arg7 : memref<!tpu.dma_semaphore, #tpu.memory_space<semaphore_mem>>)
    %dma_wait3A_344 = arith.constant 0 : i32
    %dma_wait3A_345 = arith.constant 0 : i32
    %dma_wait3A_346 = arith.constant 0 : i32
    %dma_wait3A_347 = tpu.memref_slice %arg4[%dma_wait3A_345, %dma_wait3A_346] : memref<768x50176xf32, #tpu.memory_space<hbm>> -> memref<1x50176xf32, #tpu.memory_space<hbm>>
    %dma_wait3A_348 = tpu.memref_squeeze %dma_wait3A_347 : memref<1x50176xf32, #tpu.memory_space<hbm>> -> memref<50176xf32, #tpu.memory_space<hbm>>
    %dma_wait3A_349 = arith.constant 0 : i32
    %dma_wait3A_350 = tpu.memref_slice %arg2[%dma_wait3A_344, %dma_wait3A_349] : memref<1536x50176xf32, #tpu.memory_space<hbm>> -> memref<1x50176xf32, #tpu.memory_space<hbm>>
    %dma_wait3A_351 = tpu.memref_squeeze %dma_wait3A_350 : memref<1x50176xf32, #tpu.memory_space<hbm>> -> memref<50176xf32, #tpu.memory_space<hbm>>
    tpu.wait_dma2 semaphore(%arg7 : memref<!tpu.dma_semaphore, #tpu.memory_space<semaphore_mem>>) src(%dma_wait3A_351 : memref<50176xf32, #tpu.memory_space<hbm>>) dst(%dma_wait3A_348 : memref<50176xf32, #tpu.memory_space<hbm>>)
    %slice3A_352 = vector.extract_strided_slice %get3A_271 {offsets = [4], sizes = [1], strides = [1]} : vector<16xi32> to vector<1xi32>
    %squeeze3A_353 = vector.extract %slice3A_352[0] : i32 from vector<1xi32>
    %add3A_354 = arith.constant 16 : i32
    %add3A_355 = arith.addi %mul3A_2, %add3A_354 : i32
    %add3A_356 = arith.constant 4 : i32
    %add3A_357 = arith.addi %add3A_355, %add3A_356 : i32
    %dma_start3A_358 = arith.constant 0 : i32
    %dma_start3A_359 = tpu.memref_slice %arg4[%add3A_357, %dma_start3A_358] : memref<768x50176xf32, #tpu.memory_space<hbm>> -> memref<1x50176xf32, #tpu.memory_space<hbm>>
    %dma_start3A_360 = tpu.memref_squeeze %dma_start3A_359 : memref<1x50176xf32, #tpu.memory_space<hbm>> -> memref<50176xf32, #tpu.memory_space<hbm>>
    %dma_start3A_361 = arith.constant 0 : i32
    %dma_start3A_362 = tpu.memref_slice %arg2[%squeeze3A_353, %dma_start3A_361] : memref<1536x50176xf32, #tpu.memory_space<hbm>> -> memref<1x50176xf32, #tpu.memory_space<hbm>>
    %dma_start3A_363 = tpu.memref_squeeze %dma_start3A_362 : memref<1x50176xf32, #tpu.memory_space<hbm>> -> memref<50176xf32, #tpu.memory_space<hbm>>
    tpu.enqueue_dma source(%dma_start3A_363 : memref<50176xf32, #tpu.memory_space<hbm>>) target(%dma_start3A_360 : memref<50176xf32, #tpu.memory_space<hbm>>) target_semaphore(%arg7 : memref<!tpu.dma_semaphore, #tpu.memory_space<semaphore_mem>>)
    %dma_wait3A_364 = arith.constant 0 : i32
    %dma_wait3A_365 = arith.constant 0 : i32
    %dma_wait3A_366 = arith.constant 0 : i32
    %dma_wait3A_367 = tpu.memref_slice %arg4[%dma_wait3A_365, %dma_wait3A_366] : memref<768x50176xf32, #tpu.memory_space<hbm>> -> memref<1x50176xf32, #tpu.memory_space<hbm>>
    %dma_wait3A_368 = tpu.memref_squeeze %dma_wait3A_367 : memref<1x50176xf32, #tpu.memory_space<hbm>> -> memref<50176xf32, #tpu.memory_space<hbm>>
    %dma_wait3A_369 = arith.constant 0 : i32
    %dma_wait3A_370 = tpu.memref_slice %arg2[%dma_wait3A_364, %dma_wait3A_369] : memref<1536x50176xf32, #tpu.memory_space<hbm>> -> memref<1x50176xf32, #tpu.memory_space<hbm>>
    %dma_wait3A_371 = tpu.memref_squeeze %dma_wait3A_370 : memref<1x50176xf32, #tpu.memory_space<hbm>> -> memref<50176xf32, #tpu.memory_space<hbm>>
    tpu.wait_dma2 semaphore(%arg7 : memref<!tpu.dma_semaphore, #tpu.memory_space<semaphore_mem>>) src(%dma_wait3A_371 : memref<50176xf32, #tpu.memory_space<hbm>>) dst(%dma_wait3A_368 : memref<50176xf32, #tpu.memory_space<hbm>>)
    %slice3A_372 = vector.extract_strided_slice %get3A_271 {offsets = [5], sizes = [1], strides = [1]} : vector<16xi32> to vector<1xi32>
    %squeeze3A_373 = vector.extract %slice3A_372[0] : i32 from vector<1xi32>
    %add3A_374 = arith.constant 16 : i32
    %add3A_375 = arith.addi %mul3A_2, %add3A_374 : i32
    %add3A_376 = arith.constant 5 : i32
    %add3A_377 = arith.addi %add3A_375, %add3A_376 : i32
    %dma_start3A_378 = arith.constant 0 : i32
    %dma_start3A_379 = tpu.memref_slice %arg4[%add3A_377, %dma_start3A_378] : memref<768x50176xf32, #tpu.memory_space<hbm>> -> memref<1x50176xf32, #tpu.memory_space<hbm>>
    %dma_start3A_380 = tpu.memref_squeeze %dma_start3A_379 : memref<1x50176xf32, #tpu.memory_space<hbm>> -> memref<50176xf32, #tpu.memory_space<hbm>>
    %dma_start3A_381 = arith.constant 0 : i32
    %dma_start3A_382 = tpu.memref_slice %arg2[%squeeze3A_373, %dma_start3A_381] : memref<1536x50176xf32, #tpu.memory_space<hbm>> -> memref<1x50176xf32, #tpu.memory_space<hbm>>
    %dma_start3A_383 = tpu.memref_squeeze %dma_start3A_382 : memref<1x50176xf32, #tpu.memory_space<hbm>> -> memref<50176xf32, #tpu.memory_space<hbm>>
    tpu.enqueue_dma source(%dma_start3A_383 : memref<50176xf32, #tpu.memory_space<hbm>>) target(%dma_start3A_380 : memref<50176xf32, #tpu.memory_space<hbm>>) target_semaphore(%arg7 : memref<!tpu.dma_semaphore, #tpu.memory_space<semaphore_mem>>)
    %dma_wait3A_384 = arith.constant 0 : i32
    %dma_wait3A_385 = arith.constant 0 : i32
    %dma_wait3A_386 = arith.constant 0 : i32
    %dma_wait3A_387 = tpu.memref_slice %arg4[%dma_wait3A_385, %dma_wait3A_386] : memref<768x50176xf32, #tpu.memory_space<hbm>> -> memref<1x50176xf32, #tpu.memory_space<hbm>>
    %dma_wait3A_388 = tpu.memref_squeeze %dma_wait3A_387 : memref<1x50176xf32, #tpu.memory_space<hbm>> -> memref<50176xf32, #tpu.memory_space<hbm>>
    %dma_wait3A_389 = arith.constant 0 : i32
    %dma_wait3A_390 = tpu.memref_slice %arg2[%dma_wait3A_384, %dma_wait3A_389] : memref<1536x50176xf32, #tpu.memory_space<hbm>> -> memref<1x50176xf32, #tpu.memory_space<hbm>>
    %dma_wait3A_391 = tpu.memref_squeeze %dma_wait3A_390 : memref<1x50176xf32, #tpu.memory_space<hbm>> -> memref<50176xf32, #tpu.memory_space<hbm>>
    tpu.wait_dma2 semaphore(%arg7 : memref<!tpu.dma_semaphore, #tpu.memory_space<semaphore_mem>>) src(%dma_wait3A_391 : memref<50176xf32, #tpu.memory_space<hbm>>) dst(%dma_wait3A_388 : memref<50176xf32, #tpu.memory_space<hbm>>)
    %slice3A_392 = vector.extract_strided_slice %get3A_271 {offsets = [6], sizes = [1], strides = [1]} : vector<16xi32> to vector<1xi32>
    %squeeze3A_393 = vector.extract %slice3A_392[0] : i32 from vector<1xi32>
    %add3A_394 = arith.constant 16 : i32
    %add3A_395 = arith.addi %mul3A_2, %add3A_394 : i32
    %add3A_396 = arith.constant 6 : i32
    %add3A_397 = arith.addi %add3A_395, %add3A_396 : i32
    %dma_start3A_398 = arith.constant 0 : i32
    %dma_start3A_399 = tpu.memref_slice %arg4[%add3A_397, %dma_start3A_398] : memref<768x50176xf32, #tpu.memory_space<hbm>> -> memref<1x50176xf32, #tpu.memory_space<hbm>>
    %dma_start3A_400 = tpu.memref_squeeze %dma_start3A_399 : memref<1x50176xf32, #tpu.memory_space<hbm>> -> memref<50176xf32, #tpu.memory_space<hbm>>
    %dma_start3A_401 = arith.constant 0 : i32
    %dma_start3A_402 = tpu.memref_slice %arg2[%squeeze3A_393, %dma_start3A_401] : memref<1536x50176xf32, #tpu.memory_space<hbm>> -> memref<1x50176xf32, #tpu.memory_space<hbm>>
    %dma_start3A_403 = tpu.memref_squeeze %dma_start3A_402 : memref<1x50176xf32, #tpu.memory_space<hbm>> -> memref<50176xf32, #tpu.memory_space<hbm>>
    tpu.enqueue_dma source(%dma_start3A_403 : memref<50176xf32, #tpu.memory_space<hbm>>) target(%dma_start3A_400 : memref<50176xf32, #tpu.memory_space<hbm>>) target_semaphore(%arg7 : memref<!tpu.dma_semaphore, #tpu.memory_space<semaphore_mem>>)
    %dma_wait3A_404 = arith.constant 0 : i32
    %dma_wait3A_405 = arith.constant 0 : i32
    %dma_wait3A_406 = arith.constant 0 : i32
    %dma_wait3A_407 = tpu.memref_slice %arg4[%dma_wait3A_405, %dma_wait3A_406] : memref<768x50176xf32, #tpu.memory_space<hbm>> -> memref<1x50176xf32, #tpu.memory_space<hbm>>
    %dma_wait3A_408 = tpu.memref_squeeze %dma_wait3A_407 : memref<1x50176xf32, #tpu.memory_space<hbm>> -> memref<50176xf32, #tpu.memory_space<hbm>>
    %dma_wait3A_409 = arith.constant 0 : i32
    %dma_wait3A_410 = tpu.memref_slice %arg2[%dma_wait3A_404, %dma_wait3A_409] : memref<1536x50176xf32, #tpu.memory_space<hbm>> -> memref<1x50176xf32, #tpu.memory_space<hbm>>
    %dma_wait3A_411 = tpu.memref_squeeze %dma_wait3A_410 : memref<1x50176xf32, #tpu.memory_space<hbm>> -> memref<50176xf32, #tpu.memory_space<hbm>>
    tpu.wait_dma2 semaphore(%arg7 : memref<!tpu.dma_semaphore, #tpu.memory_space<semaphore_mem>>) src(%dma_wait3A_411 : memref<50176xf32, #tpu.memory_space<hbm>>) dst(%dma_wait3A_408 : memref<50176xf32, #tpu.memory_space<hbm>>)
    %slice3A_412 = vector.extract_strided_slice %get3A_271 {offsets = [7], sizes = [1], strides = [1]} : vector<16xi32> to vector<1xi32>
    %squeeze3A_413 = vector.extract %slice3A_412[0] : i32 from vector<1xi32>
    %add3A_414 = arith.constant 16 : i32
    %add3A_415 = arith.addi %mul3A_2, %add3A_414 : i32
    %add3A_416 = arith.constant 7 : i32
    %add3A_417 = arith.addi %add3A_415, %add3A_416 : i32
    %dma_start3A_418 = arith.constant 0 : i32
    %dma_start3A_419 = tpu.memref_slice %arg4[%add3A_417, %dma_start3A_418] : memref<768x50176xf32, #tpu.memory_space<hbm>> -> memref<1x50176xf32, #tpu.memory_space<hbm>>
    %dma_start3A_420 = tpu.memref_squeeze %dma_start3A_419 : memref<1x50176xf32, #tpu.memory_space<hbm>> -> memref<50176xf32, #tpu.memory_space<hbm>>
    %dma_start3A_421 = arith.constant 0 : i32
    %dma_start3A_422 = tpu.memref_slice %arg2[%squeeze3A_413, %dma_start3A_421] : memref<1536x50176xf32, #tpu.memory_space<hbm>> -> memref<1x50176xf32, #tpu.memory_space<hbm>>
    %dma_start3A_423 = tpu.memref_squeeze %dma_start3A_422 : memref<1x50176xf32, #tpu.memory_space<hbm>> -> memref<50176xf32, #tpu.memory_space<hbm>>
    tpu.enqueue_dma source(%dma_start3A_423 : memref<50176xf32, #tpu.memory_space<hbm>>) target(%dma_start3A_420 : memref<50176xf32, #tpu.memory_space<hbm>>) target_semaphore(%arg7 : memref<!tpu.dma_semaphore, #tpu.memory_space<semaphore_mem>>)
    %dma_wait3A_424 = arith.constant 0 : i32
    %dma_wait3A_425 = arith.constant 0 : i32
    %dma_wait3A_426 = arith.constant 0 : i32
    %dma_wait3A_427 = tpu.memref_slice %arg4[%dma_wait3A_425, %dma_wait3A_426] : memref<768x50176xf32, #tpu.memory_space<hbm>> -> memref<1x50176xf32, #tpu.memory_space<hbm>>
    %dma_wait3A_428 = tpu.memref_squeeze %dma_wait3A_427 : memref<1x50176xf32, #tpu.memory_space<hbm>> -> memref<50176xf32, #tpu.memory_space<hbm>>
    %dma_wait3A_429 = arith.constant 0 : i32
    %dma_wait3A_430 = tpu.memref_slice %arg2[%dma_wait3A_424, %dma_wait3A_429] : memref<1536x50176xf32, #tpu.memory_space<hbm>> -> memref<1x50176xf32, #tpu.memory_space<hbm>>
    %dma_wait3A_431 = tpu.memref_squeeze %dma_wait3A_430 : memref<1x50176xf32, #tpu.memory_space<hbm>> -> memref<50176xf32, #tpu.memory_space<hbm>>
    tpu.wait_dma2 semaphore(%arg7 : memref<!tpu.dma_semaphore, #tpu.memory_space<semaphore_mem>>) src(%dma_wait3A_431 : memref<50176xf32, #tpu.memory_space<hbm>>) dst(%dma_wait3A_428 : memref<50176xf32, #tpu.memory_space<hbm>>)
    %mul3A_432 = arith.constant 48 : i32
    %mul3A_433 = arith.muli %add3A, %mul3A_432 : i32
    %add3A_434 = arith.constant 1536 : i32
    %add3A_435 = arith.addi %add3A_434, %mul3A_433 : i32
    %add3A_436 = arith.constant 0 : i32
    %add3A_437 = arith.addi %add3A_435, %add3A_436 : i32
    %get3A_438 = arith.index_cast %add3A_437 : i32 to index
    %get3A_439 = tpu.vector_load %arg6[%get3A_438] {strides = array<i32>} : memref<3072xi32, #tpu.memory_space<vmem>>, vector<16xi32>,
    %get3A_440 = vector.shape_cast %get3A_439 : vector<16xi32> to vector<16xi32>
    %slice3A_441 = vector.extract_strided_slice %get3A_440 {offsets = [0], sizes = [1], strides = [1]} : vector<16xi32> to vector<1xi32>
    %squeeze3A_442 = vector.extract %slice3A_441[0] : i32 from vector<1xi32>
    %add3A_443 = arith.constant 0 : i32
    %add3A_444 = arith.addi %mul3A_2, %add3A_443 : i32
    %add3A_445 = arith.constant 0 : i32
    %add3A_446 = arith.addi %add3A_444, %add3A_445 : i32
    %dma_start3A_447 = arith.constant 0 : i32
    %dma_start3A_448 = tpu.memref_slice %arg5[%add3A_446, %dma_start3A_447] : memref<768x50176xf32, #tpu.memory_space<hbm>> -> memref<1x50176xf32, #tpu.memory_space<hbm>>
    %dma_start3A_449 = tpu.memref_squeeze %dma_start3A_448 : memref<1x50176xf32, #tpu.memory_space<hbm>> -> memref<50176xf32, #tpu.memory_space<hbm>>
    %dma_start3A_450 = arith.constant 0 : i32
    %dma_start3A_451 = tpu.memref_slice %arg2[%squeeze3A_442, %dma_start3A_450] : memref<1536x50176xf32, #tpu.memory_space<hbm>> -> memref<1x50176xf32, #tpu.memory_space<hbm>>
    %dma_start3A_452 = tpu.memref_squeeze %dma_start3A_451 : memref<1x50176xf32, #tpu.memory_space<hbm>> -> memref<50176xf32, #tpu.memory_space<hbm>>
    tpu.enqueue_dma source(%dma_start3A_452 : memref<50176xf32, #tpu.memory_space<hbm>>) target(%dma_start3A_449 : memref<50176xf32, #tpu.memory_space<hbm>>) target_semaphore(%arg7 : memref<!tpu.dma_semaphore, #tpu.memory_space<semaphore_mem>>)
    %dma_wait3A_453 = arith.constant 0 : i32
    %dma_wait3A_454 = arith.constant 0 : i32
    %dma_wait3A_455 = arith.constant 0 : i32
    %dma_wait3A_456 = tpu.memref_slice %arg4[%dma_wait3A_454, %dma_wait3A_455] : memref<768x50176xf32, #tpu.memory_space<hbm>> -> memref<1x50176xf32, #tpu.memory_space<hbm>>
    %dma_wait3A_457 = tpu.memref_squeeze %dma_wait3A_456 : memref<1x50176xf32, #tpu.memory_space<hbm>> -> memref<50176xf32, #tpu.memory_space<hbm>>
    %dma_wait3A_458 = arith.constant 0 : i32
    %dma_wait3A_459 = tpu.memref_slice %arg2[%dma_wait3A_453, %dma_wait3A_458] : memref<1536x50176xf32, #tpu.memory_space<hbm>> -> memref<1x50176xf32, #tpu.memory_space<hbm>>
    %dma_wait3A_460 = tpu.memref_squeeze %dma_wait3A_459 : memref<1x50176xf32, #tpu.memory_space<hbm>> -> memref<50176xf32, #tpu.memory_space<hbm>>
    tpu.wait_dma2 semaphore(%arg7 : memref<!tpu.dma_semaphore, #tpu.memory_space<semaphore_mem>>) src(%dma_wait3A_460 : memref<50176xf32, #tpu.memory_space<hbm>>) dst(%dma_wait3A_457 : memref<50176xf32, #tpu.memory_space<hbm>>)
    %slice3A_461 = vector.extract_strided_slice %get3A_440 {offsets = [1], sizes = [1], strides = [1]} : vector<16xi32> to vector<1xi32>
    %squeeze3A_462 = vector.extract %slice3A_461[0] : i32 from vector<1xi32>
    %add3A_463 = arith.constant 0 : i32
    %add3A_464 = arith.addi %mul3A_2, %add3A_463 : i32
    %add3A_465 = arith.constant 1 : i32
    %add3A_466 = arith.addi %add3A_464, %add3A_465 : i32
    %dma_start3A_467 = arith.constant 0 : i32
    %dma_start3A_468 = tpu.memref_slice %arg5[%add3A_466, %dma_start3A_467] : memref<768x50176xf32, #tpu.memory_space<hbm>> -> memref<1x50176xf32, #tpu.memory_space<hbm>>
    %dma_start3A_469 = tpu.memref_squeeze %dma_start3A_468 : memref<1x50176xf32, #tpu.memory_space<hbm>> -> memref<50176xf32, #tpu.memory_space<hbm>>
    %dma_start3A_470 = arith.constant 0 : i32
    %dma_start3A_471 = tpu.memref_slice %arg2[%squeeze3A_462, %dma_start3A_470] : memref<1536x50176xf32, #tpu.memory_space<hbm>> -> memref<1x50176xf32, #tpu.memory_space<hbm>>
    %dma_start3A_472 = tpu.memref_squeeze %dma_start3A_471 : memref<1x50176xf32, #tpu.memory_space<hbm>> -> memref<50176xf32, #tpu.memory_space<hbm>>
    tpu.enqueue_dma source(%dma_start3A_472 : memref<50176xf32, #tpu.memory_space<hbm>>) target(%dma_start3A_469 : memref<50176xf32, #tpu.memory_space<hbm>>) target_semaphore(%arg7 : memref<!tpu.dma_semaphore, #tpu.memory_space<semaphore_mem>>)
    %dma_wait3A_473 = arith.constant 0 : i32
    %dma_wait3A_474 = arith.constant 0 : i32
    %dma_wait3A_475 = arith.constant 0 : i32
    %dma_wait3A_476 = tpu.memref_slice %arg4[%dma_wait3A_474, %dma_wait3A_475] : memref<768x50176xf32, #tpu.memory_space<hbm>> -> memref<1x50176xf32, #tpu.memory_space<hbm>>
    %dma_wait3A_477 = tpu.memref_squeeze %dma_wait3A_476 : memref<1x50176xf32, #tpu.memory_space<hbm>> -> memref<50176xf32, #tpu.memory_space<hbm>>
    %dma_wait3A_478 = arith.constant 0 : i32
    %dma_wait3A_479 = tpu.memref_slice %arg2[%dma_wait3A_473, %dma_wait3A_478] : memref<1536x50176xf32, #tpu.memory_space<hbm>> -> memref<1x50176xf32, #tpu.memory_space<hbm>>
    %dma_wait3A_480 = tpu.memref_squeeze %dma_wait3A_479 : memref<1x50176xf32, #tpu.memory_space<hbm>> -> memref<50176xf32, #tpu.memory_space<hbm>>
    tpu.wait_dma2 semaphore(%arg7 : memref<!tpu.dma_semaphore, #tpu.memory_space<semaphore_mem>>) src(%dma_wait3A_480 : memref<50176xf32, #tpu.memory_space<hbm>>) dst(%dma_wait3A_477 : memref<50176xf32, #tpu.memory_space<hbm>>)
    %slice3A_481 = vector.extract_strided_slice %get3A_440 {offsets = [2], sizes = [1], strides = [1]} : vector<16xi32> to vector<1xi32>
    %squeeze3A_482 = vector.extract %slice3A_481[0] : i32 from vector<1xi32>
    %add3A_483 = arith.constant 0 : i32
    %add3A_484 = arith.addi %mul3A_2, %add3A_483 : i32
    %add3A_485 = arith.constant 2 : i32
    %add3A_486 = arith.addi %add3A_484, %add3A_485 : i32
    %dma_start3A_487 = arith.constant 0 : i32
    %dma_start3A_488 = tpu.memref_slice %arg5[%add3A_486, %dma_start3A_487] : memref<768x50176xf32, #tpu.memory_space<hbm>> -> memref<1x50176xf32, #tpu.memory_space<hbm>>
    %dma_start3A_489 = tpu.memref_squeeze %dma_start3A_488 : memref<1x50176xf32, #tpu.memory_space<hbm>> -> memref<50176xf32, #tpu.memory_space<hbm>>
    %dma_start3A_490 = arith.constant 0 : i32
    %dma_start3A_491 = tpu.memref_slice %arg2[%squeeze3A_482, %dma_start3A_490] : memref<1536x50176xf32, #tpu.memory_space<hbm>> -> memref<1x50176xf32, #tpu.memory_space<hbm>>
    %dma_start3A_492 = tpu.memref_squeeze %dma_start3A_491 : memref<1x50176xf32, #tpu.memory_space<hbm>> -> memref<50176xf32, #tpu.memory_space<hbm>>
    tpu.enqueue_dma source(%dma_start3A_492 : memref<50176xf32, #tpu.memory_space<hbm>>) target(%dma_start3A_489 : memref<50176xf32, #tpu.memory_space<hbm>>) target_semaphore(%arg7 : memref<!tpu.dma_semaphore, #tpu.memory_space<semaphore_mem>>)
    %dma_wait3A_493 = arith.constant 0 : i32
    %dma_wait3A_494 = arith.constant 0 : i32
    %dma_wait3A_495 = arith.constant 0 : i32
    %dma_wait3A_496 = tpu.memref_slice %arg4[%dma_wait3A_494, %dma_wait3A_495] : memref<768x50176xf32, #tpu.memory_space<hbm>> -> memref<1x50176xf32, #tpu.memory_space<hbm>>
    %dma_wait3A_497 = tpu.memref_squeeze %dma_wait3A_496 : memref<1x50176xf32, #tpu.memory_space<hbm>> -> memref<50176xf32, #tpu.memory_space<hbm>>
    %dma_wait3A_498 = arith.constant 0 : i32
    %dma_wait3A_499 = tpu.memref_slice %arg2[%dma_wait3A_493, %dma_wait3A_498] : memref<1536x50176xf32, #tpu.memory_space<hbm>> -> memref<1x50176xf32, #tpu.memory_space<hbm>>
    %dma_wait3A_500 = tpu.memref_squeeze %dma_wait3A_499 : memref<1x50176xf32, #tpu.memory_space<hbm>> -> memref<50176xf32, #tpu.memory_space<hbm>>
    tpu.wait_dma2 semaphore(%arg7 : memref<!tpu.dma_semaphore, #tpu.memory_space<semaphore_mem>>) src(%dma_wait3A_500 : memref<50176xf32, #tpu.memory_space<hbm>>) dst(%dma_wait3A_497 : memref<50176xf32, #tpu.memory_space<hbm>>)
    %slice3A_501 = vector.extract_strided_slice %get3A_440 {offsets = [3], sizes = [1], strides = [1]} : vector<16xi32> to vector<1xi32>
    %squeeze3A_502 = vector.extract %slice3A_501[0] : i32 from vector<1xi32>
    %add3A_503 = arith.constant 0 : i32
    %add3A_504 = arith.addi %mul3A_2, %add3A_503 : i32
    %add3A_505 = arith.constant 3 : i32
    %add3A_506 = arith.addi %add3A_504, %add3A_505 : i32
    %dma_start3A_507 = arith.constant 0 : i32
    %dma_start3A_508 = tpu.memref_slice %arg5[%add3A_506, %dma_start3A_507] : memref<768x50176xf32, #tpu.memory_space<hbm>> -> memref<1x50176xf32, #tpu.memory_space<hbm>>
    %dma_start3A_509 = tpu.memref_squeeze %dma_start3A_508 : memref<1x50176xf32, #tpu.memory_space<hbm>> -> memref<50176xf32, #tpu.memory_space<hbm>>
    %dma_start3A_510 = arith.constant 0 : i32
    %dma_start3A_511 = tpu.memref_slice %arg2[%squeeze3A_502, %dma_start3A_510] : memref<1536x50176xf32, #tpu.memory_space<hbm>> -> memref<1x50176xf32, #tpu.memory_space<hbm>>
    %dma_start3A_512 = tpu.memref_squeeze %dma_start3A_511 : memref<1x50176xf32, #tpu.memory_space<hbm>> -> memref<50176xf32, #tpu.memory_space<hbm>>
    tpu.enqueue_dma source(%dma_start3A_512 : memref<50176xf32, #tpu.memory_space<hbm>>) target(%dma_start3A_509 : memref<50176xf32, #tpu.memory_space<hbm>>) target_semaphore(%arg7 : memref<!tpu.dma_semaphore, #tpu.memory_space<semaphore_mem>>)
    %dma_wait3A_513 = arith.constant 0 : i32
    %dma_wait3A_514 = arith.constant 0 : i32
    %dma_wait3A_515 = arith.constant 0 : i32
    %dma_wait3A_516 = tpu.memref_slice %arg4[%dma_wait3A_514, %dma_wait3A_515] : memref<768x50176xf32, #tpu.memory_space<hbm>> -> memref<1x50176xf32, #tpu.memory_space<hbm>>
    %dma_wait3A_517 = tpu.memref_squeeze %dma_wait3A_516 : memref<1x50176xf32, #tpu.memory_space<hbm>> -> memref<50176xf32, #tpu.memory_space<hbm>>
    %dma_wait3A_518 = arith.constant 0 : i32
    %dma_wait3A_519 = tpu.memref_slice %arg2[%dma_wait3A_513, %dma_wait3A_518] : memref<1536x50176xf32, #tpu.memory_space<hbm>> -> memref<1x50176xf32, #tpu.memory_space<hbm>>
    %dma_wait3A_520 = tpu.memref_squeeze %dma_wait3A_519 : memref<1x50176xf32, #tpu.memory_space<hbm>> -> memref<50176xf32, #tpu.memory_space<hbm>>
    tpu.wait_dma2 semaphore(%arg7 : memref<!tpu.dma_semaphore, #tpu.memory_space<semaphore_mem>>) src(%dma_wait3A_520 : memref<50176xf32, #tpu.memory_space<hbm>>) dst(%dma_wait3A_517 : memref<50176xf32, #tpu.memory_space<hbm>>)
    %slice3A_521 = vector.extract_strided_slice %get3A_440 {offsets = [4], sizes = [1], strides = [1]} : vector<16xi32> to vector<1xi32>
    %squeeze3A_522 = vector.extract %slice3A_521[0] : i32 from vector<1xi32>
    %add3A_523 = arith.constant 0 : i32
    %add3A_524 = arith.addi %mul3A_2, %add3A_523 : i32
    %add3A_525 = arith.constant 4 : i32
    %add3A_526 = arith.addi %add3A_524, %add3A_525 : i32
    %dma_start3A_527 = arith.constant 0 : i32
    %dma_start3A_528 = tpu.memref_slice %arg5[%add3A_526, %dma_start3A_527] : memref<768x50176xf32, #tpu.memory_space<hbm>> -> memref<1x50176xf32, #tpu.memory_space<hbm>>
    %dma_start3A_529 = tpu.memref_squeeze %dma_start3A_528 : memref<1x50176xf32, #tpu.memory_space<hbm>> -> memref<50176xf32, #tpu.memory_space<hbm>>
    %dma_start3A_530 = arith.constant 0 : i32
    %dma_start3A_531 = tpu.memref_slice %arg2[%squeeze3A_522, %dma_start3A_530] : memref<1536x50176xf32, #tpu.memory_space<hbm>> -> memref<1x50176xf32, #tpu.memory_space<hbm>>
    %dma_start3A_532 = tpu.memref_squeeze %dma_start3A_531 : memref<1x50176xf32, #tpu.memory_space<hbm>> -> memref<50176xf32, #tpu.memory_space<hbm>>
    tpu.enqueue_dma source(%dma_start3A_532 : memref<50176xf32, #tpu.memory_space<hbm>>) target(%dma_start3A_529 : memref<50176xf32, #tpu.memory_space<hbm>>) target_semaphore(%arg7 : memref<!tpu.dma_semaphore, #tpu.memory_space<semaphore_mem>>)
    %dma_wait3A_533 = arith.constant 0 : i32
    %dma_wait3A_534 = arith.constant 0 : i32
    %dma_wait3A_535 = arith.constant 0 : i32
    %dma_wait3A_536 = tpu.memref_slice %arg4[%dma_wait3A_534, %dma_wait3A_535] : memref<768x50176xf32, #tpu.memory_space<hbm>> -> memref<1x50176xf32, #tpu.memory_space<hbm>>
    %dma_wait3A_537 = tpu.memref_squeeze %dma_wait3A_536 : memref<1x50176xf32, #tpu.memory_space<hbm>> -> memref<50176xf32, #tpu.memory_space<hbm>>
    %dma_wait3A_538 = arith.constant 0 : i32
    %dma_wait3A_539 = tpu.memref_slice %arg2[%dma_wait3A_533, %dma_wait3A_538] : memref<1536x50176xf32, #tpu.memory_space<hbm>> -> memref<1x50176xf32, #tpu.memory_space<hbm>>
    %dma_wait3A_540 = tpu.memref_squeeze %dma_wait3A_539 : memref<1x50176xf32, #tpu.memory_space<hbm>> -> memref<50176xf32, #tpu.memory_space<hbm>>
    tpu.wait_dma2 semaphore(%arg7 : memref<!tpu.dma_semaphore, #tpu.memory_space<semaphore_mem>>) src(%dma_wait3A_540 : memref<50176xf32, #tpu.memory_space<hbm>>) dst(%dma_wait3A_537 : memref<50176xf32, #tpu.memory_space<hbm>>)
    %slice3A_541 = vector.extract_strided_slice %get3A_440 {offsets = [5], sizes = [1], strides = [1]} : vector<16xi32> to vector<1xi32>
    %squeeze3A_542 = vector.extract %slice3A_541[0] : i32 from vector<1xi32>
    %add3A_543 = arith.constant 0 : i32
    %add3A_544 = arith.addi %mul3A_2, %add3A_543 : i32
    %add3A_545 = arith.constant 5 : i32
    %add3A_546 = arith.addi %add3A_544, %add3A_545 : i32
    %dma_start3A_547 = arith.constant 0 : i32
    %dma_start3A_548 = tpu.memref_slice %arg5[%add3A_546, %dma_start3A_547] : memref<768x50176xf32, #tpu.memory_space<hbm>> -> memref<1x50176xf32, #tpu.memory_space<hbm>>
    %dma_start3A_549 = tpu.memref_squeeze %dma_start3A_548 : memref<1x50176xf32, #tpu.memory_space<hbm>> -> memref<50176xf32, #tpu.memory_space<hbm>>
    %dma_start3A_550 = arith.constant 0 : i32
    %dma_start3A_551 = tpu.memref_slice %arg2[%squeeze3A_542, %dma_start3A_550] : memref<1536x50176xf32, #tpu.memory_space<hbm>> -> memref<1x50176xf32, #tpu.memory_space<hbm>>
    %dma_start3A_552 = tpu.memref_squeeze %dma_start3A_551 : memref<1x50176xf32, #tpu.memory_space<hbm>> -> memref<50176xf32, #tpu.memory_space<hbm>>
    tpu.enqueue_dma source(%dma_start3A_552 : memref<50176xf32, #tpu.memory_space<hbm>>) target(%dma_start3A_549 : memref<50176xf32, #tpu.memory_space<hbm>>) target_semaphore(%arg7 : memref<!tpu.dma_semaphore, #tpu.memory_space<semaphore_mem>>)
    %dma_wait3A_553 = arith.constant 0 : i32
    %dma_wait3A_554 = arith.constant 0 : i32
    %dma_wait3A_555 = arith.constant 0 : i32
    %dma_wait3A_556 = tpu.memref_slice %arg4[%dma_wait3A_554, %dma_wait3A_555] : memref<768x50176xf32, #tpu.memory_space<hbm>> -> memref<1x50176xf32, #tpu.memory_space<hbm>>
    %dma_wait3A_557 = tpu.memref_squeeze %dma_wait3A_556 : memref<1x50176xf32, #tpu.memory_space<hbm>> -> memref<50176xf32, #tpu.memory_space<hbm>>
    %dma_wait3A_558 = arith.constant 0 : i32
    %dma_wait3A_559 = tpu.memref_slice %arg2[%dma_wait3A_553, %dma_wait3A_558] : memref<1536x50176xf32, #tpu.memory_space<hbm>> -> memref<1x50176xf32, #tpu.memory_space<hbm>>
    %dma_wait3A_560 = tpu.memref_squeeze %dma_wait3A_559 : memref<1x50176xf32, #tpu.memory_space<hbm>> -> memref<50176xf32, #tpu.memory_space<hbm>>
    tpu.wait_dma2 semaphore(%arg7 : memref<!tpu.dma_semaphore, #tpu.memory_space<semaphore_mem>>) src(%dma_wait3A_560 : memref<50176xf32, #tpu.memory_space<hbm>>) dst(%dma_wait3A_557 : memref<50176xf32, #tpu.memory_space<hbm>>)
    %slice3A_561 = vector.extract_strided_slice %get3A_440 {offsets = [6], sizes = [1], strides = [1]} : vector<16xi32> to vector<1xi32>
    %squeeze3A_562 = vector.extract %slice3A_561[0] : i32 from vector<1xi32>
    %add3A_563 = arith.constant 0 : i32
    %add3A_564 = arith.addi %mul3A_2, %add3A_563 : i32
    %add3A_565 = arith.constant 6 : i32
    %add3A_566 = arith.addi %add3A_564, %add3A_565 : i32
    %dma_start3A_567 = arith.constant 0 : i32
    %dma_start3A_568 = tpu.memref_slice %arg5[%add3A_566, %dma_start3A_567] : memref<768x50176xf32, #tpu.memory_space<hbm>> -> memref<1x50176xf32, #tpu.memory_space<hbm>>
    %dma_start3A_569 = tpu.memref_squeeze %dma_start3A_568 : memref<1x50176xf32, #tpu.memory_space<hbm>> -> memref<50176xf32, #tpu.memory_space<hbm>>
    %dma_start3A_570 = arith.constant 0 : i32
    %dma_start3A_571 = tpu.memref_slice %arg2[%squeeze3A_562, %dma_start3A_570] : memref<1536x50176xf32, #tpu.memory_space<hbm>> -> memref<1x50176xf32, #tpu.memory_space<hbm>>
    %dma_start3A_572 = tpu.memref_squeeze %dma_start3A_571 : memref<1x50176xf32, #tpu.memory_space<hbm>> -> memref<50176xf32, #tpu.memory_space<hbm>>
    tpu.enqueue_dma source(%dma_start3A_572 : memref<50176xf32, #tpu.memory_space<hbm>>) target(%dma_start3A_569 : memref<50176xf32, #tpu.memory_space<hbm>>) target_semaphore(%arg7 : memref<!tpu.dma_semaphore, #tpu.memory_space<semaphore_mem>>)
    %dma_wait3A_573 = arith.constant 0 : i32
    %dma_wait3A_574 = arith.constant 0 : i32
    %dma_wait3A_575 = arith.constant 0 : i32
    %dma_wait3A_576 = tpu.memref_slice %arg4[%dma_wait3A_574, %dma_wait3A_575] : memref<768x50176xf32, #tpu.memory_space<hbm>> -> memref<1x50176xf32, #tpu.memory_space<hbm>>
    %dma_wait3A_577 = tpu.memref_squeeze %dma_wait3A_576 : memref<1x50176xf32, #tpu.memory_space<hbm>> -> memref<50176xf32, #tpu.memory_space<hbm>>
    %dma_wait3A_578 = arith.constant 0 : i32
    %dma_wait3A_579 = tpu.memref_slice %arg2[%dma_wait3A_573, %dma_wait3A_578] : memref<1536x50176xf32, #tpu.memory_space<hbm>> -> memref<1x50176xf32, #tpu.memory_space<hbm>>
    %dma_wait3A_580 = tpu.memref_squeeze %dma_wait3A_579 : memref<1x50176xf32, #tpu.memory_space<hbm>> -> memref<50176xf32, #tpu.memory_space<hbm>>
    tpu.wait_dma2 semaphore(%arg7 : memref<!tpu.dma_semaphore, #tpu.memory_space<semaphore_mem>>) src(%dma_wait3A_580 : memref<50176xf32, #tpu.memory_space<hbm>>) dst(%dma_wait3A_577 : memref<50176xf32, #tpu.memory_space<hbm>>)
    %slice3A_581 = vector.extract_strided_slice %get3A_440 {offsets = [7], sizes = [1], strides = [1]} : vector<16xi32> to vector<1xi32>
    %squeeze3A_582 = vector.extract %slice3A_581[0] : i32 from vector<1xi32>
    %add3A_583 = arith.constant 0 : i32
    %add3A_584 = arith.addi %mul3A_2, %add3A_583 : i32
    %add3A_585 = arith.constant 7 : i32
    %add3A_586 = arith.addi %add3A_584, %add3A_585 : i32
    %dma_start3A_587 = arith.constant 0 : i32
    %dma_start3A_588 = tpu.memref_slice %arg5[%add3A_586, %dma_start3A_587] : memref<768x50176xf32, #tpu.memory_space<hbm>> -> memref<1x50176xf32, #tpu.memory_space<hbm>>
    %dma_start3A_589 = tpu.memref_squeeze %dma_start3A_588 : memref<1x50176xf32, #tpu.memory_space<hbm>> -> memref<50176xf32, #tpu.memory_space<hbm>>
    %dma_start3A_590 = arith.constant 0 : i32
    %dma_start3A_591 = tpu.memref_slice %arg2[%squeeze3A_582, %dma_start3A_590] : memref<1536x50176xf32, #tpu.memory_space<hbm>> -> memref<1x50176xf32, #tpu.memory_space<hbm>>
    %dma_start3A_592 = tpu.memref_squeeze %dma_start3A_591 : memref<1x50176xf32, #tpu.memory_space<hbm>> -> memref<50176xf32, #tpu.memory_space<hbm>>
    tpu.enqueue_dma source(%dma_start3A_592 : memref<50176xf32, #tpu.memory_space<hbm>>) target(%dma_start3A_589 : memref<50176xf32, #tpu.memory_space<hbm>>) target_semaphore(%arg7 : memref<!tpu.dma_semaphore, #tpu.memory_space<semaphore_mem>>)
    %dma_wait3A_593 = arith.constant 0 : i32
    %dma_wait3A_594 = arith.constant 0 : i32
    %dma_wait3A_595 = arith.constant 0 : i32
    %dma_wait3A_596 = tpu.memref_slice %arg4[%dma_wait3A_594, %dma_wait3A_595] : memref<768x50176xf32, #tpu.memory_space<hbm>> -> memref<1x50176xf32, #tpu.memory_space<hbm>>
    %dma_wait3A_597 = tpu.memref_squeeze %dma_wait3A_596 : memref<1x50176xf32, #tpu.memory_space<hbm>> -> memref<50176xf32, #tpu.memory_space<hbm>>
    %dma_wait3A_598 = arith.constant 0 : i32
    %dma_wait3A_599 = tpu.memref_slice %arg2[%dma_wait3A_593, %dma_wait3A_598] : memref<1536x50176xf32, #tpu.memory_space<hbm>> -> memref<1x50176xf32, #tpu.memory_space<hbm>>
    %dma_wait3A_600 = tpu.memref_squeeze %dma_wait3A_599 : memref<1x50176xf32, #tpu.memory_space<hbm>> -> memref<50176xf32, #tpu.memory_space<hbm>>
    tpu.wait_dma2 semaphore(%arg7 : memref<!tpu.dma_semaphore, #tpu.memory_space<semaphore_mem>>) src(%dma_wait3A_600 : memref<50176xf32, #tpu.memory_space<hbm>>) dst(%dma_wait3A_597 : memref<50176xf32, #tpu.memory_space<hbm>>)
    %slice3A_601 = vector.extract_strided_slice %get3A_440 {offsets = [8], sizes = [1], strides = [1]} : vector<16xi32> to vector<1xi32>
    %squeeze3A_602 = vector.extract %slice3A_601[0] : i32 from vector<1xi32>
    %add3A_603 = arith.constant 0 : i32
    %add3A_604 = arith.addi %mul3A_2, %add3A_603 : i32
    %add3A_605 = arith.constant 8 : i32
    %add3A_606 = arith.addi %add3A_604, %add3A_605 : i32
    %dma_start3A_607 = arith.constant 0 : i32
    %dma_start3A_608 = tpu.memref_slice %arg5[%add3A_606, %dma_start3A_607] : memref<768x50176xf32, #tpu.memory_space<hbm>> -> memref<1x50176xf32, #tpu.memory_space<hbm>>
    %dma_start3A_609 = tpu.memref_squeeze %dma_start3A_608 : memref<1x50176xf32, #tpu.memory_space<hbm>> -> memref<50176xf32, #tpu.memory_space<hbm>>
    %dma_start3A_610 = arith.constant 0 : i32
    %dma_start3A_611 = tpu.memref_slice %arg2[%squeeze3A_602, %dma_start3A_610] : memref<1536x50176xf32, #tpu.memory_space<hbm>> -> memref<1x50176xf32, #tpu.memory_space<hbm>>
    %dma_start3A_612 = tpu.memref_squeeze %dma_start3A_611 : memref<1x50176xf32, #tpu.memory_space<hbm>> -> memref<50176xf32, #tpu.memory_space<hbm>>
    tpu.enqueue_dma source(%dma_start3A_612 : memref<50176xf32, #tpu.memory_space<hbm>>) target(%dma_start3A_609 : memref<50176xf32, #tpu.memory_space<hbm>>) target_semaphore(%arg7 : memref<!tpu.dma_semaphore, #tpu.memory_space<semaphore_mem>>)
    %dma_wait3A_613 = arith.constant 0 : i32
    %dma_wait3A_614 = arith.constant 0 : i32
    %dma_wait3A_615 = arith.constant 0 : i32
    %dma_wait3A_616 = tpu.memref_slice %arg4[%dma_wait3A_614, %dma_wait3A_615] : memref<768x50176xf32, #tpu.memory_space<hbm>> -> memref<1x50176xf32, #tpu.memory_space<hbm>>
    %dma_wait3A_617 = tpu.memref_squeeze %dma_wait3A_616 : memref<1x50176xf32, #tpu.memory_space<hbm>> -> memref<50176xf32, #tpu.memory_space<hbm>>
    %dma_wait3A_618 = arith.constant 0 : i32
    %dma_wait3A_619 = tpu.memref_slice %arg2[%dma_wait3A_613, %dma_wait3A_618] : memref<1536x50176xf32, #tpu.memory_space<hbm>> -> memref<1x50176xf32, #tpu.memory_space<hbm>>
    %dma_wait3A_620 = tpu.memref_squeeze %dma_wait3A_619 : memref<1x50176xf32, #tpu.memory_space<hbm>> -> memref<50176xf32, #tpu.memory_space<hbm>>
    tpu.wait_dma2 semaphore(%arg7 : memref<!tpu.dma_semaphore, #tpu.memory_space<semaphore_mem>>) src(%dma_wait3A_620 : memref<50176xf32, #tpu.memory_space<hbm>>) dst(%dma_wait3A_617 : memref<50176xf32, #tpu.memory_space<hbm>>)
    %slice3A_621 = vector.extract_strided_slice %get3A_440 {offsets = [9], sizes = [1], strides = [1]} : vector<16xi32> to vector<1xi32>
    %squeeze3A_622 = vector.extract %slice3A_621[0] : i32 from vector<1xi32>
    %add3A_623 = arith.constant 0 : i32
    %add3A_624 = arith.addi %mul3A_2, %add3A_623 : i32
    %add3A_625 = arith.constant 9 : i32
    %add3A_626 = arith.addi %add3A_624, %add3A_625 : i32
    %dma_start3A_627 = arith.constant 0 : i32
    %dma_start3A_628 = tpu.memref_slice %arg5[%add3A_626, %dma_start3A_627] : memref<768x50176xf32, #tpu.memory_space<hbm>> -> memref<1x50176xf32, #tpu.memory_space<hbm>>
    %dma_start3A_629 = tpu.memref_squeeze %dma_start3A_628 : memref<1x50176xf32, #tpu.memory_space<hbm>> -> memref<50176xf32, #tpu.memory_space<hbm>>
    %dma_start3A_630 = arith.constant 0 : i32
    %dma_start3A_631 = tpu.memref_slice %arg2[%squeeze3A_622, %dma_start3A_630] : memref<1536x50176xf32, #tpu.memory_space<hbm>> -> memref<1x50176xf32, #tpu.memory_space<hbm>>
    %dma_start3A_632 = tpu.memref_squeeze %dma_start3A_631 : memref<1x50176xf32, #tpu.memory_space<hbm>> -> memref<50176xf32, #tpu.memory_space<hbm>>
    tpu.enqueue_dma source(%dma_start3A_632 : memref<50176xf32, #tpu.memory_space<hbm>>) target(%dma_start3A_629 : memref<50176xf32, #tpu.memory_space<hbm>>) target_semaphore(%arg7 : memref<!tpu.dma_semaphore, #tpu.memory_space<semaphore_mem>>)
    %dma_wait3A_633 = arith.constant 0 : i32
    %dma_wait3A_634 = arith.constant 0 : i32
    %dma_wait3A_635 = arith.constant 0 : i32
    %dma_wait3A_636 = tpu.memref_slice %arg4[%dma_wait3A_634, %dma_wait3A_635] : memref<768x50176xf32, #tpu.memory_space<hbm>> -> memref<1x50176xf32, #tpu.memory_space<hbm>>
    %dma_wait3A_637 = tpu.memref_squeeze %dma_wait3A_636 : memref<1x50176xf32, #tpu.memory_space<hbm>> -> memref<50176xf32, #tpu.memory_space<hbm>>
    %dma_wait3A_638 = arith.constant 0 : i32
    %dma_wait3A_639 = tpu.memref_slice %arg2[%dma_wait3A_633, %dma_wait3A_638] : memref<1536x50176xf32, #tpu.memory_space<hbm>> -> memref<1x50176xf32, #tpu.memory_space<hbm>>
    %dma_wait3A_640 = tpu.memref_squeeze %dma_wait3A_639 : memref<1x50176xf32, #tpu.memory_space<hbm>> -> memref<50176xf32, #tpu.memory_space<hbm>>
    tpu.wait_dma2 semaphore(%arg7 : memref<!tpu.dma_semaphore, #tpu.memory_space<semaphore_mem>>) src(%dma_wait3A_640 : memref<50176xf32, #tpu.memory_space<hbm>>) dst(%dma_wait3A_637 : memref<50176xf32, #tpu.memory_space<hbm>>)
    %slice3A_641 = vector.extract_strided_slice %get3A_440 {offsets = [10], sizes = [1], strides = [1]} : vector<16xi32> to vector<1xi32>
    %squeeze3A_642 = vector.extract %slice3A_641[0] : i32 from vector<1xi32>
    %add3A_643 = arith.constant 0 : i32
    %add3A_644 = arith.addi %mul3A_2, %add3A_643 : i32
    %add3A_645 = arith.constant 10 : i32
    %add3A_646 = arith.addi %add3A_644, %add3A_645 : i32
    %dma_start3A_647 = arith.constant 0 : i32
    %dma_start3A_648 = tpu.memref_slice %arg5[%add3A_646, %dma_start3A_647] : memref<768x50176xf32, #tpu.memory_space<hbm>> -> memref<1x50176xf32, #tpu.memory_space<hbm>>
    %dma_start3A_649 = tpu.memref_squeeze %dma_start3A_648 : memref<1x50176xf32, #tpu.memory_space<hbm>> -> memref<50176xf32, #tpu.memory_space<hbm>>
    %dma_start3A_650 = arith.constant 0 : i32
    %dma_start3A_651 = tpu.memref_slice %arg2[%squeeze3A_642, %dma_start3A_650] : memref<1536x50176xf32, #tpu.memory_space<hbm>> -> memref<1x50176xf32, #tpu.memory_space<hbm>>
    %dma_start3A_652 = tpu.memref_squeeze %dma_start3A_651 : memref<1x50176xf32, #tpu.memory_space<hbm>> -> memref<50176xf32, #tpu.memory_space<hbm>>
    tpu.enqueue_dma source(%dma_start3A_652 : memref<50176xf32, #tpu.memory_space<hbm>>) target(%dma_start3A_649 : memref<50176xf32, #tpu.memory_space<hbm>>) target_semaphore(%arg7 : memref<!tpu.dma_semaphore, #tpu.memory_space<semaphore_mem>>)
    %dma_wait3A_653 = arith.constant 0 : i32
    %dma_wait3A_654 = arith.constant 0 : i32
    %dma_wait3A_655 = arith.constant 0 : i32
    %dma_wait3A_656 = tpu.memref_slice %arg4[%dma_wait3A_654, %dma_wait3A_655] : memref<768x50176xf32, #tpu.memory_space<hbm>> -> memref<1x50176xf32, #tpu.memory_space<hbm>>
    %dma_wait3A_657 = tpu.memref_squeeze %dma_wait3A_656 : memref<1x50176xf32, #tpu.memory_space<hbm>> -> memref<50176xf32, #tpu.memory_space<hbm>>
    %dma_wait3A_658 = arith.constant 0 : i32
    %dma_wait3A_659 = tpu.memref_slice %arg2[%dma_wait3A_653, %dma_wait3A_658] : memref<1536x50176xf32, #tpu.memory_space<hbm>> -> memref<1x50176xf32, #tpu.memory_space<hbm>>
    %dma_wait3A_660 = tpu.memref_squeeze %dma_wait3A_659 : memref<1x50176xf32, #tpu.memory_space<hbm>> -> memref<50176xf32, #tpu.memory_space<hbm>>
    tpu.wait_dma2 semaphore(%arg7 : memref<!tpu.dma_semaphore, #tpu.memory_space<semaphore_mem>>) src(%dma_wait3A_660 : memref<50176xf32, #tpu.memory_space<hbm>>) dst(%dma_wait3A_657 : memref<50176xf32, #tpu.memory_space<hbm>>)
    %slice3A_661 = vector.extract_strided_slice %get3A_440 {offsets = [11], sizes = [1], strides = [1]} : vector<16xi32> to vector<1xi32>
    %squeeze3A_662 = vector.extract %slice3A_661[0] : i32 from vector<1xi32>
    %add3A_663 = arith.constant 0 : i32
    %add3A_664 = arith.addi %mul3A_2, %add3A_663 : i32
    %add3A_665 = arith.constant 11 : i32
    %add3A_666 = arith.addi %add3A_664, %add3A_665 : i32
    %dma_start3A_667 = arith.constant 0 : i32
    %dma_start3A_668 = tpu.memref_slice %arg5[%add3A_666, %dma_start3A_667] : memref<768x50176xf32, #tpu.memory_space<hbm>> -> memref<1x50176xf32, #tpu.memory_space<hbm>>
    %dma_start3A_669 = tpu.memref_squeeze %dma_start3A_668 : memref<1x50176xf32, #tpu.memory_space<hbm>> -> memref<50176xf32, #tpu.memory_space<hbm>>
    %dma_start3A_670 = arith.constant 0 : i32
    %dma_start3A_671 = tpu.memref_slice %arg2[%squeeze3A_662, %dma_start3A_670] : memref<1536x50176xf32, #tpu.memory_space<hbm>> -> memref<1x50176xf32, #tpu.memory_space<hbm>>
    %dma_start3A_672 = tpu.memref_squeeze %dma_start3A_671 : memref<1x50176xf32, #tpu.memory_space<hbm>> -> memref<50176xf32, #tpu.memory_space<hbm>>
    tpu.enqueue_dma source(%dma_start3A_672 : memref<50176xf32, #tpu.memory_space<hbm>>) target(%dma_start3A_669 : memref<50176xf32, #tpu.memory_space<hbm>>) target_semaphore(%arg7 : memref<!tpu.dma_semaphore, #tpu.memory_space<semaphore_mem>>)
    %dma_wait3A_673 = arith.constant 0 : i32
    %dma_wait3A_674 = arith.constant 0 : i32
    %dma_wait3A_675 = arith.constant 0 : i32
    %dma_wait3A_676 = tpu.memref_slice %arg4[%dma_wait3A_674, %dma_wait3A_675] : memref<768x50176xf32, #tpu.memory_space<hbm>> -> memref<1x50176xf32, #tpu.memory_space<hbm>>
    %dma_wait3A_677 = tpu.memref_squeeze %dma_wait3A_676 : memref<1x50176xf32, #tpu.memory_space<hbm>> -> memref<50176xf32, #tpu.memory_space<hbm>>
    %dma_wait3A_678 = arith.constant 0 : i32
    %dma_wait3A_679 = tpu.memref_slice %arg2[%dma_wait3A_673, %dma_wait3A_678] : memref<1536x50176xf32, #tpu.memory_space<hbm>> -> memref<1x50176xf32, #tpu.memory_space<hbm>>
    %dma_wait3A_680 = tpu.memref_squeeze %dma_wait3A_679 : memref<1x50176xf32, #tpu.memory_space<hbm>> -> memref<50176xf32, #tpu.memory_space<hbm>>
    tpu.wait_dma2 semaphore(%arg7 : memref<!tpu.dma_semaphore, #tpu.memory_space<semaphore_mem>>) src(%dma_wait3A_680 : memref<50176xf32, #tpu.memory_space<hbm>>) dst(%dma_wait3A_677 : memref<50176xf32, #tpu.memory_space<hbm>>)
    %slice3A_681 = vector.extract_strided_slice %get3A_440 {offsets = [12], sizes = [1], strides = [1]} : vector<16xi32> to vector<1xi32>
    %squeeze3A_682 = vector.extract %slice3A_681[0] : i32 from vector<1xi32>
    %add3A_683 = arith.constant 0 : i32
    %add3A_684 = arith.addi %mul3A_2, %add3A_683 : i32
    %add3A_685 = arith.constant 12 : i32
    %add3A_686 = arith.addi %add3A_684, %add3A_685 : i32
    %dma_start3A_687 = arith.constant 0 : i32
    %dma_start3A_688 = tpu.memref_slice %arg5[%add3A_686, %dma_start3A_687] : memref<768x50176xf32, #tpu.memory_space<hbm>> -> memref<1x50176xf32, #tpu.memory_space<hbm>>
    %dma_start3A_689 = tpu.memref_squeeze %dma_start3A_688 : memref<1x50176xf32, #tpu.memory_space<hbm>> -> memref<50176xf32, #tpu.memory_space<hbm>>
    %dma_start3A_690 = arith.constant 0 : i32
    %dma_start3A_691 = tpu.memref_slice %arg2[%squeeze3A_682, %dma_start3A_690] : memref<1536x50176xf32, #tpu.memory_space<hbm>> -> memref<1x50176xf32, #tpu.memory_space<hbm>>
    %dma_start3A_692 = tpu.memref_squeeze %dma_start3A_691 : memref<1x50176xf32, #tpu.memory_space<hbm>> -> memref<50176xf32, #tpu.memory_space<hbm>>
    tpu.enqueue_dma source(%dma_start3A_692 : memref<50176xf32, #tpu.memory_space<hbm>>) target(%dma_start3A_689 : memref<50176xf32, #tpu.memory_space<hbm>>) target_semaphore(%arg7 : memref<!tpu.dma_semaphore, #tpu.memory_space<semaphore_mem>>)
    %dma_wait3A_693 = arith.constant 0 : i32
    %dma_wait3A_694 = arith.constant 0 : i32
    %dma_wait3A_695 = arith.constant 0 : i32
    %dma_wait3A_696 = tpu.memref_slice %arg4[%dma_wait3A_694, %dma_wait3A_695] : memref<768x50176xf32, #tpu.memory_space<hbm>> -> memref<1x50176xf32, #tpu.memory_space<hbm>>
    %dma_wait3A_697 = tpu.memref_squeeze %dma_wait3A_696 : memref<1x50176xf32, #tpu.memory_space<hbm>> -> memref<50176xf32, #tpu.memory_space<hbm>>
    %dma_wait3A_698 = arith.constant 0 : i32
    %dma_wait3A_699 = tpu.memref_slice %arg2[%dma_wait3A_693, %dma_wait3A_698] : memref<1536x50176xf32, #tpu.memory_space<hbm>> -> memref<1x50176xf32, #tpu.memory_space<hbm>>
    %dma_wait3A_700 = tpu.memref_squeeze %dma_wait3A_699 : memref<1x50176xf32, #tpu.memory_space<hbm>> -> memref<50176xf32, #tpu.memory_space<hbm>>
    tpu.wait_dma2 semaphore(%arg7 : memref<!tpu.dma_semaphore, #tpu.memory_space<semaphore_mem>>) src(%dma_wait3A_700 : memref<50176xf32, #tpu.memory_space<hbm>>) dst(%dma_wait3A_697 : memref<50176xf32, #tpu.memory_space<hbm>>)
    %slice3A_701 = vector.extract_strided_slice %get3A_440 {offsets = [13], sizes = [1], strides = [1]} : vector<16xi32> to vector<1xi32>
    %squeeze3A_702 = vector.extract %slice3A_701[0] : i32 from vector<1xi32>
    %add3A_703 = arith.constant 0 : i32
    %add3A_704 = arith.addi %mul3A_2, %add3A_703 : i32
    %add3A_705 = arith.constant 13 : i32
    %add3A_706 = arith.addi %add3A_704, %add3A_705 : i32
    %dma_start3A_707 = arith.constant 0 : i32
    %dma_start3A_708 = tpu.memref_slice %arg5[%add3A_706, %dma_start3A_707] : memref<768x50176xf32, #tpu.memory_space<hbm>> -> memref<1x50176xf32, #tpu.memory_space<hbm>>
    %dma_start3A_709 = tpu.memref_squeeze %dma_start3A_708 : memref<1x50176xf32, #tpu.memory_space<hbm>> -> memref<50176xf32, #tpu.memory_space<hbm>>
    %dma_start3A_710 = arith.constant 0 : i32
    %dma_start3A_711 = tpu.memref_slice %arg2[%squeeze3A_702, %dma_start3A_710] : memref<1536x50176xf32, #tpu.memory_space<hbm>> -> memref<1x50176xf32, #tpu.memory_space<hbm>>
    %dma_start3A_712 = tpu.memref_squeeze %dma_start3A_711 : memref<1x50176xf32, #tpu.memory_space<hbm>> -> memref<50176xf32, #tpu.memory_space<hbm>>
    tpu.enqueue_dma source(%dma_start3A_712 : memref<50176xf32, #tpu.memory_space<hbm>>) target(%dma_start3A_709 : memref<50176xf32, #tpu.memory_space<hbm>>) target_semaphore(%arg7 : memref<!tpu.dma_semaphore, #tpu.memory_space<semaphore_mem>>)
    %dma_wait3A_713 = arith.constant 0 : i32
    %dma_wait3A_714 = arith.constant 0 : i32
    %dma_wait3A_715 = arith.constant 0 : i32
    %dma_wait3A_716 = tpu.memref_slice %arg4[%dma_wait3A_714, %dma_wait3A_715] : memref<768x50176xf32, #tpu.memory_space<hbm>> -> memref<1x50176xf32, #tpu.memory_space<hbm>>
    %dma_wait3A_717 = tpu.memref_squeeze %dma_wait3A_716 : memref<1x50176xf32, #tpu.memory_space<hbm>> -> memref<50176xf32, #tpu.memory_space<hbm>>
    %dma_wait3A_718 = arith.constant 0 : i32
    %dma_wait3A_719 = tpu.memref_slice %arg2[%dma_wait3A_713, %dma_wait3A_718] : memref<1536x50176xf32, #tpu.memory_space<hbm>> -> memref<1x50176xf32, #tpu.memory_space<hbm>>
    %dma_wait3A_720 = tpu.memref_squeeze %dma_wait3A_719 : memref<1x50176xf32, #tpu.memory_space<hbm>> -> memref<50176xf32, #tpu.memory_space<hbm>>
    tpu.wait_dma2 semaphore(%arg7 : memref<!tpu.dma_semaphore, #tpu.memory_space<semaphore_mem>>) src(%dma_wait3A_720 : memref<50176xf32, #tpu.memory_space<hbm>>) dst(%dma_wait3A_717 : memref<50176xf32, #tpu.memory_space<hbm>>)
    %slice3A_721 = vector.extract_strided_slice %get3A_440 {offsets = [14], sizes = [1], strides = [1]} : vector<16xi32> to vector<1xi32>
    %squeeze3A_722 = vector.extract %slice3A_721[0] : i32 from vector<1xi32>
    %add3A_723 = arith.constant 0 : i32
    %add3A_724 = arith.addi %mul3A_2, %add3A_723 : i32
    %add3A_725 = arith.constant 14 : i32
    %add3A_726 = arith.addi %add3A_724, %add3A_725 : i32
    %dma_start3A_727 = arith.constant 0 : i32
    %dma_start3A_728 = tpu.memref_slice %arg5[%add3A_726, %dma_start3A_727] : memref<768x50176xf32, #tpu.memory_space<hbm>> -> memref<1x50176xf32, #tpu.memory_space<hbm>>
    %dma_start3A_729 = tpu.memref_squeeze %dma_start3A_728 : memref<1x50176xf32, #tpu.memory_space<hbm>> -> memref<50176xf32, #tpu.memory_space<hbm>>
    %dma_start3A_730 = arith.constant 0 : i32
    %dma_start3A_731 = tpu.memref_slice %arg2[%squeeze3A_722, %dma_start3A_730] : memref<1536x50176xf32, #tpu.memory_space<hbm>> -> memref<1x50176xf32, #tpu.memory_space<hbm>>
    %dma_start3A_732 = tpu.memref_squeeze %dma_start3A_731 : memref<1x50176xf32, #tpu.memory_space<hbm>> -> memref<50176xf32, #tpu.memory_space<hbm>>
    tpu.enqueue_dma source(%dma_start3A_732 : memref<50176xf32, #tpu.memory_space<hbm>>) target(%dma_start3A_729 : memref<50176xf32, #tpu.memory_space<hbm>>) target_semaphore(%arg7 : memref<!tpu.dma_semaphore, #tpu.memory_space<semaphore_mem>>)
    %dma_wait3A_733 = arith.constant 0 : i32
    %dma_wait3A_734 = arith.constant 0 : i32
    %dma_wait3A_735 = arith.constant 0 : i32
    %dma_wait3A_736 = tpu.memref_slice %arg4[%dma_wait3A_734, %dma_wait3A_735] : memref<768x50176xf32, #tpu.memory_space<hbm>> -> memref<1x50176xf32, #tpu.memory_space<hbm>>
    %dma_wait3A_737 = tpu.memref_squeeze %dma_wait3A_736 : memref<1x50176xf32, #tpu.memory_space<hbm>> -> memref<50176xf32, #tpu.memory_space<hbm>>
    %dma_wait3A_738 = arith.constant 0 : i32
    %dma_wait3A_739 = tpu.memref_slice %arg2[%dma_wait3A_733, %dma_wait3A_738] : memref<1536x50176xf32, #tpu.memory_space<hbm>> -> memref<1x50176xf32, #tpu.memory_space<hbm>>
    %dma_wait3A_740 = tpu.memref_squeeze %dma_wait3A_739 : memref<1x50176xf32, #tpu.memory_space<hbm>> -> memref<50176xf32, #tpu.memory_space<hbm>>
    tpu.wait_dma2 semaphore(%arg7 : memref<!tpu.dma_semaphore, #tpu.memory_space<semaphore_mem>>) src(%dma_wait3A_740 : memref<50176xf32, #tpu.memory_space<hbm>>) dst(%dma_wait3A_737 : memref<50176xf32, #tpu.memory_space<hbm>>)
    %slice3A_741 = vector.extract_strided_slice %get3A_440 {offsets = [15], sizes = [1], strides = [1]} : vector<16xi32> to vector<1xi32>
    %squeeze3A_742 = vector.extract %slice3A_741[0] : i32 from vector<1xi32>
    %add3A_743 = arith.constant 0 : i32
    %add3A_744 = arith.addi %mul3A_2, %add3A_743 : i32
    %add3A_745 = arith.constant 15 : i32
    %add3A_746 = arith.addi %add3A_744, %add3A_745 : i32
    %dma_start3A_747 = arith.constant 0 : i32
    %dma_start3A_748 = tpu.memref_slice %arg5[%add3A_746, %dma_start3A_747] : memref<768x50176xf32, #tpu.memory_space<hbm>> -> memref<1x50176xf32, #tpu.memory_space<hbm>>
    %dma_start3A_749 = tpu.memref_squeeze %dma_start3A_748 : memref<1x50176xf32, #tpu.memory_space<hbm>> -> memref<50176xf32, #tpu.memory_space<hbm>>
    %dma_start3A_750 = arith.constant 0 : i32
    %dma_start3A_751 = tpu.memref_slice %arg2[%squeeze3A_742, %dma_start3A_750] : memref<1536x50176xf32, #tpu.memory_space<hbm>> -> memref<1x50176xf32, #tpu.memory_space<hbm>>
    %dma_start3A_752 = tpu.memref_squeeze %dma_start3A_751 : memref<1x50176xf32, #tpu.memory_space<hbm>> -> memref<50176xf32, #tpu.memory_space<hbm>>
    tpu.enqueue_dma source(%dma_start3A_752 : memref<50176xf32, #tpu.memory_space<hbm>>) target(%dma_start3A_749 : memref<50176xf32, #tpu.memory_space<hbm>>) target_semaphore(%arg7 : memref<!tpu.dma_semaphore, #tpu.memory_space<semaphore_mem>>)
    %dma_wait3A_753 = arith.constant 0 : i32
    %dma_wait3A_754 = arith.constant 0 : i32
    %dma_wait3A_755 = arith.constant 0 : i32
    %dma_wait3A_756 = tpu.memref_slice %arg4[%dma_wait3A_754, %dma_wait3A_755] : memref<768x50176xf32, #tpu.memory_space<hbm>> -> memref<1x50176xf32, #tpu.memory_space<hbm>>
    %dma_wait3A_757 = tpu.memref_squeeze %dma_wait3A_756 : memref<1x50176xf32, #tpu.memory_space<hbm>> -> memref<50176xf32, #tpu.memory_space<hbm>>
    %dma_wait3A_758 = arith.constant 0 : i32
    %dma_wait3A_759 = tpu.memref_slice %arg2[%dma_wait3A_753, %dma_wait3A_758] : memref<1536x50176xf32, #tpu.memory_space<hbm>> -> memref<1x50176xf32, #tpu.memory_space<hbm>>
    %dma_wait3A_760 = tpu.memref_squeeze %dma_wait3A_759 : memref<1x50176xf32, #tpu.memory_space<hbm>> -> memref<50176xf32, #tpu.memory_space<hbm>>
    tpu.wait_dma2 semaphore(%arg7 : memref<!tpu.dma_semaphore, #tpu.memory_space<semaphore_mem>>) src(%dma_wait3A_760 : memref<50176xf32, #tpu.memory_space<hbm>>) dst(%dma_wait3A_757 : memref<50176xf32, #tpu.memory_space<hbm>>)
    %mul3A_761 = arith.constant 48 : i32
    %mul3A_762 = arith.muli %add3A, %mul3A_761 : i32
    %add3A_763 = arith.constant 1536 : i32
    %add3A_764 = arith.addi %add3A_763, %mul3A_762 : i32
    %add3A_765 = arith.constant 16 : i32
    %add3A_766 = arith.addi %add3A_764, %add3A_765 : i32
    %get3A_767 = arith.index_cast %add3A_766 : i32 to index
    %get3A_768 = tpu.vector_load %arg6[%get3A_767] {strides = array<i32>} : memref<3072xi32, #tpu.memory_space<vmem>>, vector<16xi32>,
    %get3A_769 = vector.shape_cast %get3A_768 : vector<16xi32> to vector<16xi32>
    %slice3A_770 = vector.extract_strided_slice %get3A_769 {offsets = [0], sizes = [1], strides = [1]} : vector<16xi32> to vector<1xi32>
    %squeeze3A_771 = vector.extract %slice3A_770[0] : i32 from vector<1xi32>
    %add3A_772 = arith.constant 16 : i32
    %add3A_773 = arith.addi %mul3A_2, %add3A_772 : i32
    %add3A_774 = arith.constant 0 : i32
    %add3A_775 = arith.addi %add3A_773, %add3A_774 : i32
    %dma_start3A_776 = arith.constant 0 : i32
    %dma_start3A_777 = tpu.memref_slice %arg5[%add3A_775, %dma_start3A_776] : memref<768x50176xf32, #tpu.memory_space<hbm>> -> memref<1x50176xf32, #tpu.memory_space<hbm>>
    %dma_start3A_778 = tpu.memref_squeeze %dma_start3A_777 : memref<1x50176xf32, #tpu.memory_space<hbm>> -> memref<50176xf32, #tpu.memory_space<hbm>>
    %dma_start3A_779 = arith.constant 0 : i32
    %dma_start3A_780 = tpu.memref_slice %arg2[%squeeze3A_771, %dma_start3A_779] : memref<1536x50176xf32, #tpu.memory_space<hbm>> -> memref<1x50176xf32, #tpu.memory_space<hbm>>
    %dma_start3A_781 = tpu.memref_squeeze %dma_start3A_780 : memref<1x50176xf32, #tpu.memory_space<hbm>> -> memref<50176xf32, #tpu.memory_space<hbm>>
    tpu.enqueue_dma source(%dma_start3A_781 : memref<50176xf32, #tpu.memory_space<hbm>>) target(%dma_start3A_778 : memref<50176xf32, #tpu.memory_space<hbm>>) target_semaphore(%arg7 : memref<!tpu.dma_semaphore, #tpu.memory_space<semaphore_mem>>)
    %dma_wait3A_782 = arith.constant 0 : i32
    %dma_wait3A_783 = arith.constant 0 : i32
    %dma_wait3A_784 = arith.constant 0 : i32
    %dma_wait3A_785 = tpu.memref_slice %arg4[%dma_wait3A_783, %dma_wait3A_784] : memref<768x50176xf32, #tpu.memory_space<hbm>> -> memref<1x50176xf32, #tpu.memory_space<hbm>>
    %dma_wait3A_786 = tpu.memref_squeeze %dma_wait3A_785 : memref<1x50176xf32, #tpu.memory_space<hbm>> -> memref<50176xf32, #tpu.memory_space<hbm>>
    %dma_wait3A_787 = arith.constant 0 : i32
    %dma_wait3A_788 = tpu.memref_slice %arg2[%dma_wait3A_782, %dma_wait3A_787] : memref<1536x50176xf32, #tpu.memory_space<hbm>> -> memref<1x50176xf32, #tpu.memory_space<hbm>>
    %dma_wait3A_789 = tpu.memref_squeeze %dma_wait3A_788 : memref<1x50176xf32, #tpu.memory_space<hbm>> -> memref<50176xf32, #tpu.memory_space<hbm>>
    tpu.wait_dma2 semaphore(%arg7 : memref<!tpu.dma_semaphore, #tpu.memory_space<semaphore_mem>>) src(%dma_wait3A_789 : memref<50176xf32, #tpu.memory_space<hbm>>) dst(%dma_wait3A_786 : memref<50176xf32, #tpu.memory_space<hbm>>)
    %slice3A_790 = vector.extract_strided_slice %get3A_769 {offsets = [1], sizes = [1], strides = [1]} : vector<16xi32> to vector<1xi32>
    %squeeze3A_791 = vector.extract %slice3A_790[0] : i32 from vector<1xi32>
    %add3A_792 = arith.constant 16 : i32
    %add3A_793 = arith.addi %mul3A_2, %add3A_792 : i32
    %add3A_794 = arith.constant 1 : i32
    %add3A_795 = arith.addi %add3A_793, %add3A_794 : i32
    %dma_start3A_796 = arith.constant 0 : i32
    %dma_start3A_797 = tpu.memref_slice %arg5[%add3A_795, %dma_start3A_796] : memref<768x50176xf32, #tpu.memory_space<hbm>> -> memref<1x50176xf32, #tpu.memory_space<hbm>>
    %dma_start3A_798 = tpu.memref_squeeze %dma_start3A_797 : memref<1x50176xf32, #tpu.memory_space<hbm>> -> memref<50176xf32, #tpu.memory_space<hbm>>
    %dma_start3A_799 = arith.constant 0 : i32
    %dma_start3A_800 = tpu.memref_slice %arg2[%squeeze3A_791, %dma_start3A_799] : memref<1536x50176xf32, #tpu.memory_space<hbm>> -> memref<1x50176xf32, #tpu.memory_space<hbm>>
    %dma_start3A_801 = tpu.memref_squeeze %dma_start3A_800 : memref<1x50176xf32, #tpu.memory_space<hbm>> -> memref<50176xf32, #tpu.memory_space<hbm>>
    tpu.enqueue_dma source(%dma_start3A_801 : memref<50176xf32, #tpu.memory_space<hbm>>) target(%dma_start3A_798 : memref<50176xf32, #tpu.memory_space<hbm>>) target_semaphore(%arg7 : memref<!tpu.dma_semaphore, #tpu.memory_space<semaphore_mem>>)
    %dma_wait3A_802 = arith.constant 0 : i32
    %dma_wait3A_803 = arith.constant 0 : i32
    %dma_wait3A_804 = arith.constant 0 : i32
    %dma_wait3A_805 = tpu.memref_slice %arg4[%dma_wait3A_803, %dma_wait3A_804] : memref<768x50176xf32, #tpu.memory_space<hbm>> -> memref<1x50176xf32, #tpu.memory_space<hbm>>
    %dma_wait3A_806 = tpu.memref_squeeze %dma_wait3A_805 : memref<1x50176xf32, #tpu.memory_space<hbm>> -> memref<50176xf32, #tpu.memory_space<hbm>>
    %dma_wait3A_807 = arith.constant 0 : i32
    %dma_wait3A_808 = tpu.memref_slice %arg2[%dma_wait3A_802, %dma_wait3A_807] : memref<1536x50176xf32, #tpu.memory_space<hbm>> -> memref<1x50176xf32, #tpu.memory_space<hbm>>
    %dma_wait3A_809 = tpu.memref_squeeze %dma_wait3A_808 : memref<1x50176xf32, #tpu.memory_space<hbm>> -> memref<50176xf32, #tpu.memory_space<hbm>>
    tpu.wait_dma2 semaphore(%arg7 : memref<!tpu.dma_semaphore, #tpu.memory_space<semaphore_mem>>) src(%dma_wait3A_809 : memref<50176xf32, #tpu.memory_space<hbm>>) dst(%dma_wait3A_806 : memref<50176xf32, #tpu.memory_space<hbm>>)
    %slice3A_810 = vector.extract_strided_slice %get3A_769 {offsets = [2], sizes = [1], strides = [1]} : vector<16xi32> to vector<1xi32>
    %squeeze3A_811 = vector.extract %slice3A_810[0] : i32 from vector<1xi32>
    %add3A_812 = arith.constant 16 : i32
    %add3A_813 = arith.addi %mul3A_2, %add3A_812 : i32
    %add3A_814 = arith.constant 2 : i32
    %add3A_815 = arith.addi %add3A_813, %add3A_814 : i32
    %dma_start3A_816 = arith.constant 0 : i32
    %dma_start3A_817 = tpu.memref_slice %arg5[%add3A_815, %dma_start3A_816] : memref<768x50176xf32, #tpu.memory_space<hbm>> -> memref<1x50176xf32, #tpu.memory_space<hbm>>
    %dma_start3A_818 = tpu.memref_squeeze %dma_start3A_817 : memref<1x50176xf32, #tpu.memory_space<hbm>> -> memref<50176xf32, #tpu.memory_space<hbm>>
    %dma_start3A_819 = arith.constant 0 : i32
    %dma_start3A_820 = tpu.memref_slice %arg2[%squeeze3A_811, %dma_start3A_819] : memref<1536x50176xf32, #tpu.memory_space<hbm>> -> memref<1x50176xf32, #tpu.memory_space<hbm>>
    %dma_start3A_821 = tpu.memref_squeeze %dma_start3A_820 : memref<1x50176xf32, #tpu.memory_space<hbm>> -> memref<50176xf32, #tpu.memory_space<hbm>>
    tpu.enqueue_dma source(%dma_start3A_821 : memref<50176xf32, #tpu.memory_space<hbm>>) target(%dma_start3A_818 : memref<50176xf32, #tpu.memory_space<hbm>>) target_semaphore(%arg7 : memref<!tpu.dma_semaphore, #tpu.memory_space<semaphore_mem>>)
    %dma_wait3A_822 = arith.constant 0 : i32
    %dma_wait3A_823 = arith.constant 0 : i32
    %dma_wait3A_824 = arith.constant 0 : i32
    %dma_wait3A_825 = tpu.memref_slice %arg4[%dma_wait3A_823, %dma_wait3A_824] : memref<768x50176xf32, #tpu.memory_space<hbm>> -> memref<1x50176xf32, #tpu.memory_space<hbm>>
    %dma_wait3A_826 = tpu.memref_squeeze %dma_wait3A_825 : memref<1x50176xf32, #tpu.memory_space<hbm>> -> memref<50176xf32, #tpu.memory_space<hbm>>
    %dma_wait3A_827 = arith.constant 0 : i32
    %dma_wait3A_828 = tpu.memref_slice %arg2[%dma_wait3A_822, %dma_wait3A_827] : memref<1536x50176xf32, #tpu.memory_space<hbm>> -> memref<1x50176xf32, #tpu.memory_space<hbm>>
    %dma_wait3A_829 = tpu.memref_squeeze %dma_wait3A_828 : memref<1x50176xf32, #tpu.memory_space<hbm>> -> memref<50176xf32, #tpu.memory_space<hbm>>
    tpu.wait_dma2 semaphore(%arg7 : memref<!tpu.dma_semaphore, #tpu.memory_space<semaphore_mem>>) src(%dma_wait3A_829 : memref<50176xf32, #tpu.memory_space<hbm>>) dst(%dma_wait3A_826 : memref<50176xf32, #tpu.memory_space<hbm>>)
    %slice3A_830 = vector.extract_strided_slice %get3A_769 {offsets = [3], sizes = [1], strides = [1]} : vector<16xi32> to vector<1xi32>
    %squeeze3A_831 = vector.extract %slice3A_830[0] : i32 from vector<1xi32>
    %add3A_832 = arith.constant 16 : i32
    %add3A_833 = arith.addi %mul3A_2, %add3A_832 : i32
    %add3A_834 = arith.constant 3 : i32
    %add3A_835 = arith.addi %add3A_833, %add3A_834 : i32
    %dma_start3A_836 = arith.constant 0 : i32
    %dma_start3A_837 = tpu.memref_slice %arg5[%add3A_835, %dma_start3A_836] : memref<768x50176xf32, #tpu.memory_space<hbm>> -> memref<1x50176xf32, #tpu.memory_space<hbm>>
    %dma_start3A_838 = tpu.memref_squeeze %dma_start3A_837 : memref<1x50176xf32, #tpu.memory_space<hbm>> -> memref<50176xf32, #tpu.memory_space<hbm>>
    %dma_start3A_839 = arith.constant 0 : i32
    %dma_start3A_840 = tpu.memref_slice %arg2[%squeeze3A_831, %dma_start3A_839] : memref<1536x50176xf32, #tpu.memory_space<hbm>> -> memref<1x50176xf32, #tpu.memory_space<hbm>>
    %dma_start3A_841 = tpu.memref_squeeze %dma_start3A_840 : memref<1x50176xf32, #tpu.memory_space<hbm>> -> memref<50176xf32, #tpu.memory_space<hbm>>
    tpu.enqueue_dma source(%dma_start3A_841 : memref<50176xf32, #tpu.memory_space<hbm>>) target(%dma_start3A_838 : memref<50176xf32, #tpu.memory_space<hbm>>) target_semaphore(%arg7 : memref<!tpu.dma_semaphore, #tpu.memory_space<semaphore_mem>>)
    %dma_wait3A_842 = arith.constant 0 : i32
    %dma_wait3A_843 = arith.constant 0 : i32
    %dma_wait3A_844 = arith.constant 0 : i32
    %dma_wait3A_845 = tpu.memref_slice %arg4[%dma_wait3A_843, %dma_wait3A_844] : memref<768x50176xf32, #tpu.memory_space<hbm>> -> memref<1x50176xf32, #tpu.memory_space<hbm>>
    %dma_wait3A_846 = tpu.memref_squeeze %dma_wait3A_845 : memref<1x50176xf32, #tpu.memory_space<hbm>> -> memref<50176xf32, #tpu.memory_space<hbm>>
    %dma_wait3A_847 = arith.constant 0 : i32
    %dma_wait3A_848 = tpu.memref_slice %arg2[%dma_wait3A_842, %dma_wait3A_847] : memref<1536x50176xf32, #tpu.memory_space<hbm>> -> memref<1x50176xf32, #tpu.memory_space<hbm>>
    %dma_wait3A_849 = tpu.memref_squeeze %dma_wait3A_848 : memref<1x50176xf32, #tpu.memory_space<hbm>> -> memref<50176xf32, #tpu.memory_space<hbm>>
    tpu.wait_dma2 semaphore(%arg7 : memref<!tpu.dma_semaphore, #tpu.memory_space<semaphore_mem>>) src(%dma_wait3A_849 : memref<50176xf32, #tpu.memory_space<hbm>>) dst(%dma_wait3A_846 : memref<50176xf32, #tpu.memory_space<hbm>>)
    %slice3A_850 = vector.extract_strided_slice %get3A_769 {offsets = [4], sizes = [1], strides = [1]} : vector<16xi32> to vector<1xi32>
    %squeeze3A_851 = vector.extract %slice3A_850[0] : i32 from vector<1xi32>
    %add3A_852 = arith.constant 16 : i32
    %add3A_853 = arith.addi %mul3A_2, %add3A_852 : i32
    %add3A_854 = arith.constant 4 : i32
    %add3A_855 = arith.addi %add3A_853, %add3A_854 : i32
    %dma_start3A_856 = arith.constant 0 : i32
    %dma_start3A_857 = tpu.memref_slice %arg5[%add3A_855, %dma_start3A_856] : memref<768x50176xf32, #tpu.memory_space<hbm>> -> memref<1x50176xf32, #tpu.memory_space<hbm>>
    %dma_start3A_858 = tpu.memref_squeeze %dma_start3A_857 : memref<1x50176xf32, #tpu.memory_space<hbm>> -> memref<50176xf32, #tpu.memory_space<hbm>>
    %dma_start3A_859 = arith.constant 0 : i32
    %dma_start3A_860 = tpu.memref_slice %arg2[%squeeze3A_851, %dma_start3A_859] : memref<1536x50176xf32, #tpu.memory_space<hbm>> -> memref<1x50176xf32, #tpu.memory_space<hbm>>
    %dma_start3A_861 = tpu.memref_squeeze %dma_start3A_860 : memref<1x50176xf32, #tpu.memory_space<hbm>> -> memref<50176xf32, #tpu.memory_space<hbm>>
    tpu.enqueue_dma source(%dma_start3A_861 : memref<50176xf32, #tpu.memory_space<hbm>>) target(%dma_start3A_858 : memref<50176xf32, #tpu.memory_space<hbm>>) target_semaphore(%arg7 : memref<!tpu.dma_semaphore, #tpu.memory_space<semaphore_mem>>)
    %dma_wait3A_862 = arith.constant 0 : i32
    %dma_wait3A_863 = arith.constant 0 : i32
    %dma_wait3A_864 = arith.constant 0 : i32
    %dma_wait3A_865 = tpu.memref_slice %arg4[%dma_wait3A_863, %dma_wait3A_864] : memref<768x50176xf32, #tpu.memory_space<hbm>> -> memref<1x50176xf32, #tpu.memory_space<hbm>>
    %dma_wait3A_866 = tpu.memref_squeeze %dma_wait3A_865 : memref<1x50176xf32, #tpu.memory_space<hbm>> -> memref<50176xf32, #tpu.memory_space<hbm>>
    %dma_wait3A_867 = arith.constant 0 : i32
    %dma_wait3A_868 = tpu.memref_slice %arg2[%dma_wait3A_862, %dma_wait3A_867] : memref<1536x50176xf32, #tpu.memory_space<hbm>> -> memref<1x50176xf32, #tpu.memory_space<hbm>>
    %dma_wait3A_869 = tpu.memref_squeeze %dma_wait3A_868 : memref<1x50176xf32, #tpu.memory_space<hbm>> -> memref<50176xf32, #tpu.memory_space<hbm>>
    tpu.wait_dma2 semaphore(%arg7 : memref<!tpu.dma_semaphore, #tpu.memory_space<semaphore_mem>>) src(%dma_wait3A_869 : memref<50176xf32, #tpu.memory_space<hbm>>) dst(%dma_wait3A_866 : memref<50176xf32, #tpu.memory_space<hbm>>)
    %slice3A_870 = vector.extract_strided_slice %get3A_769 {offsets = [5], sizes = [1], strides = [1]} : vector<16xi32> to vector<1xi32>
    %squeeze3A_871 = vector.extract %slice3A_870[0] : i32 from vector<1xi32>
    %add3A_872 = arith.constant 16 : i32
    %add3A_873 = arith.addi %mul3A_2, %add3A_872 : i32
    %add3A_874 = arith.constant 5 : i32
    %add3A_875 = arith.addi %add3A_873, %add3A_874 : i32
    %dma_start3A_876 = arith.constant 0 : i32
    %dma_start3A_877 = tpu.memref_slice %arg5[%add3A_875, %dma_start3A_876] : memref<768x50176xf32, #tpu.memory_space<hbm>> -> memref<1x50176xf32, #tpu.memory_space<hbm>>
    %dma_start3A_878 = tpu.memref_squeeze %dma_start3A_877 : memref<1x50176xf32, #tpu.memory_space<hbm>> -> memref<50176xf32, #tpu.memory_space<hbm>>
    %dma_start3A_879 = arith.constant 0 : i32
    %dma_start3A_880 = tpu.memref_slice %arg2[%squeeze3A_871, %dma_start3A_879] : memref<1536x50176xf32, #tpu.memory_space<hbm>> -> memref<1x50176xf32, #tpu.memory_space<hbm>>
    %dma_start3A_881 = tpu.memref_squeeze %dma_start3A_880 : memref<1x50176xf32, #tpu.memory_space<hbm>> -> memref<50176xf32, #tpu.memory_space<hbm>>
    tpu.enqueue_dma source(%dma_start3A_881 : memref<50176xf32, #tpu.memory_space<hbm>>) target(%dma_start3A_878 : memref<50176xf32, #tpu.memory_space<hbm>>) target_semaphore(%arg7 : memref<!tpu.dma_semaphore, #tpu.memory_space<semaphore_mem>>)
    %dma_wait3A_882 = arith.constant 0 : i32
    %dma_wait3A_883 = arith.constant 0 : i32
    %dma_wait3A_884 = arith.constant 0 : i32
    %dma_wait3A_885 = tpu.memref_slice %arg4[%dma_wait3A_883, %dma_wait3A_884] : memref<768x50176xf32, #tpu.memory_space<hbm>> -> memref<1x50176xf32, #tpu.memory_space<hbm>>
    %dma_wait3A_886 = tpu.memref_squeeze %dma_wait3A_885 : memref<1x50176xf32, #tpu.memory_space<hbm>> -> memref<50176xf32, #tpu.memory_space<hbm>>
    %dma_wait3A_887 = arith.constant 0 : i32
    %dma_wait3A_888 = tpu.memref_slice %arg2[%dma_wait3A_882, %dma_wait3A_887] : memref<1536x50176xf32, #tpu.memory_space<hbm>> -> memref<1x50176xf32, #tpu.memory_space<hbm>>
    %dma_wait3A_889 = tpu.memref_squeeze %dma_wait3A_888 : memref<1x50176xf32, #tpu.memory_space<hbm>> -> memref<50176xf32, #tpu.memory_space<hbm>>
    tpu.wait_dma2 semaphore(%arg7 : memref<!tpu.dma_semaphore, #tpu.memory_space<semaphore_mem>>) src(%dma_wait3A_889 : memref<50176xf32, #tpu.memory_space<hbm>>) dst(%dma_wait3A_886 : memref<50176xf32, #tpu.memory_space<hbm>>)
    %slice3A_890 = vector.extract_strided_slice %get3A_769 {offsets = [6], sizes = [1], strides = [1]} : vector<16xi32> to vector<1xi32>
    %squeeze3A_891 = vector.extract %slice3A_890[0] : i32 from vector<1xi32>
    %add3A_892 = arith.constant 16 : i32
    %add3A_893 = arith.addi %mul3A_2, %add3A_892 : i32
    %add3A_894 = arith.constant 6 : i32
    %add3A_895 = arith.addi %add3A_893, %add3A_894 : i32
    %dma_start3A_896 = arith.constant 0 : i32
    %dma_start3A_897 = tpu.memref_slice %arg5[%add3A_895, %dma_start3A_896] : memref<768x50176xf32, #tpu.memory_space<hbm>> -> memref<1x50176xf32, #tpu.memory_space<hbm>>
    %dma_start3A_898 = tpu.memref_squeeze %dma_start3A_897 : memref<1x50176xf32, #tpu.memory_space<hbm>> -> memref<50176xf32, #tpu.memory_space<hbm>>
    %dma_start3A_899 = arith.constant 0 : i32
    %dma_start3A_900 = tpu.memref_slice %arg2[%squeeze3A_891, %dma_start3A_899] : memref<1536x50176xf32, #tpu.memory_space<hbm>> -> memref<1x50176xf32, #tpu.memory_space<hbm>>
    %dma_start3A_901 = tpu.memref_squeeze %dma_start3A_900 : memref<1x50176xf32, #tpu.memory_space<hbm>> -> memref<50176xf32, #tpu.memory_space<hbm>>
    tpu.enqueue_dma source(%dma_start3A_901 : memref<50176xf32, #tpu.memory_space<hbm>>) target(%dma_start3A_898 : memref<50176xf32, #tpu.memory_space<hbm>>) target_semaphore(%arg7 : memref<!tpu.dma_semaphore, #tpu.memory_space<semaphore_mem>>)
    %dma_wait3A_902 = arith.constant 0 : i32
    %dma_wait3A_903 = arith.constant 0 : i32
    %dma_wait3A_904 = arith.constant 0 : i32
    %dma_wait3A_905 = tpu.memref_slice %arg4[%dma_wait3A_903, %dma_wait3A_904] : memref<768x50176xf32, #tpu.memory_space<hbm>> -> memref<1x50176xf32, #tpu.memory_space<hbm>>
    %dma_wait3A_906 = tpu.memref_squeeze %dma_wait3A_905 : memref<1x50176xf32, #tpu.memory_space<hbm>> -> memref<50176xf32, #tpu.memory_space<hbm>>
    %dma_wait3A_907 = arith.constant 0 : i32
    %dma_wait3A_908 = tpu.memref_slice %arg2[%dma_wait3A_902, %dma_wait3A_907] : memref<1536x50176xf32, #tpu.memory_space<hbm>> -> memref<1x50176xf32, #tpu.memory_space<hbm>>
    %dma_wait3A_909 = tpu.memref_squeeze %dma_wait3A_908 : memref<1x50176xf32, #tpu.memory_space<hbm>> -> memref<50176xf32, #tpu.memory_space<hbm>>
    tpu.wait_dma2 semaphore(%arg7 : memref<!tpu.dma_semaphore, #tpu.memory_space<semaphore_mem>>) src(%dma_wait3A_909 : memref<50176xf32, #tpu.memory_space<hbm>>) dst(%dma_wait3A_906 : memref<50176xf32, #tpu.memory_space<hbm>>)
    %slice3A_910 = vector.extract_strided_slice %get3A_769 {offsets = [7], sizes = [1], strides = [1]} : vector<16xi32> to vector<1xi32>
    %squeeze3A_911 = vector.extract %slice3A_910[0] : i32 from vector<1xi32>
    %add3A_912 = arith.constant 16 : i32
    %add3A_913 = arith.addi %mul3A_2, %add3A_912 : i32
    %add3A_914 = arith.constant 7 : i32
    %add3A_915 = arith.addi %add3A_913, %add3A_914 : i32
    %dma_start3A_916 = arith.constant 0 : i32
    %dma_start3A_917 = tpu.memref_slice %arg5[%add3A_915, %dma_start3A_916] : memref<768x50176xf32, #tpu.memory_space<hbm>> -> memref<1x50176xf32, #tpu.memory_space<hbm>>
    %dma_start3A_918 = tpu.memref_squeeze %dma_start3A_917 : memref<1x50176xf32, #tpu.memory_space<hbm>> -> memref<50176xf32, #tpu.memory_space<hbm>>
    %dma_start3A_919 = arith.constant 0 : i32
    %dma_start3A_920 = tpu.memref_slice %arg2[%squeeze3A_911, %dma_start3A_919] : memref<1536x50176xf32, #tpu.memory_space<hbm>> -> memref<1x50176xf32, #tpu.memory_space<hbm>>
    %dma_start3A_921 = tpu.memref_squeeze %dma_start3A_920 : memref<1x50176xf32, #tpu.memory_space<hbm>> -> memref<50176xf32, #tpu.memory_space<hbm>>
    tpu.enqueue_dma source(%dma_start3A_921 : memref<50176xf32, #tpu.memory_space<hbm>>) target(%dma_start3A_918 : memref<50176xf32, #tpu.memory_space<hbm>>) target_semaphore(%arg7 : memref<!tpu.dma_semaphore, #tpu.memory_space<semaphore_mem>>)
    %dma_wait3A_922 = arith.constant 0 : i32
    %dma_wait3A_923 = arith.constant 0 : i32
    %dma_wait3A_924 = arith.constant 0 : i32
    %dma_wait3A_925 = tpu.memref_slice %arg4[%dma_wait3A_923, %dma_wait3A_924] : memref<768x50176xf32, #tpu.memory_space<hbm>> -> memref<1x50176xf32, #tpu.memory_space<hbm>>
    %dma_wait3A_926 = tpu.memref_squeeze %dma_wait3A_925 : memref<1x50176xf32, #tpu.memory_space<hbm>> -> memref<50176xf32, #tpu.memory_space<hbm>>
    %dma_wait3A_927 = arith.constant 0 : i32
    %dma_wait3A_928 = tpu.memref_slice %arg2[%dma_wait3A_922, %dma_wait3A_927] : memref<1536x50176xf32, #tpu.memory_space<hbm>> -> memref<1x50176xf32, #tpu.memory_space<hbm>>
    %dma_wait3A_929 = tpu.memref_squeeze %dma_wait3A_928 : memref<1x50176xf32, #tpu.memory_space<hbm>> -> memref<50176xf32, #tpu.memory_space<hbm>>
    tpu.wait_dma2 semaphore(%arg7 : memref<!tpu.dma_semaphore, #tpu.memory_space<semaphore_mem>>) src(%dma_wait3A_929 : memref<50176xf32, #tpu.memory_space<hbm>>) dst(%dma_wait3A_926 : memref<50176xf32, #tpu.memory_space<hbm>>)
    %dma_wait3A_930 = arith.constant 0 : i32
    %dma_wait3A_931 = arith.constant 0 : i32
    %dma_wait3A_932 = arith.constant 0 : i32
    %dma_wait3A_933 = tpu.memref_slice %arg4[%dma_wait3A_931, %dma_wait3A_932] : memref<768x50176xf32, #tpu.memory_space<hbm>> -> memref<1x50176xf32, #tpu.memory_space<hbm>>
    %dma_wait3A_934 = tpu.memref_squeeze %dma_wait3A_933 : memref<1x50176xf32, #tpu.memory_space<hbm>> -> memref<50176xf32, #tpu.memory_space<hbm>>
    %dma_wait3A_935 = arith.constant 0 : i32
    %dma_wait3A_936 = tpu.memref_slice %arg2[%dma_wait3A_930, %dma_wait3A_935] : memref<1536x50176xf32, #tpu.memory_space<hbm>> -> memref<1x50176xf32, #tpu.memory_space<hbm>>
    %dma_wait3A_937 = tpu.memref_squeeze %dma_wait3A_936 : memref<1x50176xf32, #tpu.memory_space<hbm>> -> memref<50176xf32, #tpu.memory_space<hbm>>
    tpu.wait_dma2 semaphore(%arg7 : memref<!tpu.dma_semaphore, #tpu.memory_space<semaphore_mem>>) src(%dma_wait3A_937 : memref<50176xf32, #tpu.memory_space<hbm>>) dst(%dma_wait3A_934 : memref<50176xf32, #tpu.memory_space<hbm>>)
    %dma_wait3A_938 = arith.constant 0 : i32
    %dma_wait3A_939 = arith.constant 0 : i32
    %dma_wait3A_940 = arith.constant 0 : i32
    %dma_wait3A_941 = tpu.memref_slice %arg4[%dma_wait3A_939, %dma_wait3A_940] : memref<768x50176xf32, #tpu.memory_space<hbm>> -> memref<1x50176xf32, #tpu.memory_space<hbm>>
    %dma_wait3A_942 = tpu.memref_squeeze %dma_wait3A_941 : memref<1x50176xf32, #tpu.memory_space<hbm>> -> memref<50176xf32, #tpu.memory_space<hbm>>
    %dma_wait3A_943 = arith.constant 0 : i32
    %dma_wait3A_944 = tpu.memref_slice %arg2[%dma_wait3A_938, %dma_wait3A_943] : memref<1536x50176xf32, #tpu.memory_space<hbm>> -> memref<1x50176xf32, #tpu.memory_space<hbm>>
    %dma_wait3A_945 = tpu.memref_squeeze %dma_wait3A_944 : memref<1x50176xf32, #tpu.memory_space<hbm>> -> memref<50176xf32, #tpu.memory_space<hbm>>
    tpu.wait_dma2 semaphore(%arg7 : memref<!tpu.dma_semaphore, #tpu.memory_space<semaphore_mem>>) src(%dma_wait3A_945 : memref<50176xf32, #tpu.memory_space<hbm>>) dst(%dma_wait3A_942 : memref<50176xf32, #tpu.memory_space<hbm>>)
    %dma_wait3A_946 = arith.constant 0 : i32
    %dma_wait3A_947 = arith.constant 0 : i32
    %dma_wait3A_948 = arith.constant 0 : i32
    %dma_wait3A_949 = tpu.memref_slice %arg4[%dma_wait3A_947, %dma_wait3A_948] : memref<768x50176xf32, #tpu.memory_space<hbm>> -> memref<1x50176xf32, #tpu.memory_space<hbm>>
    %dma_wait3A_950 = tpu.memref_squeeze %dma_wait3A_949 : memref<1x50176xf32, #tpu.memory_space<hbm>> -> memref<50176xf32, #tpu.memory_space<hbm>>
    %dma_wait3A_951 = arith.constant 0 : i32
    %dma_wait3A_952 = tpu.memref_slice %arg2[%dma_wait3A_946, %dma_wait3A_951] : memref<1536x50176xf32, #tpu.memory_space<hbm>> -> memref<1x50176xf32, #tpu.memory_space<hbm>>
    %dma_wait3A_953 = tpu.memref_squeeze %dma_wait3A_952 : memref<1x50176xf32, #tpu.memory_space<hbm>> -> memref<50176xf32, #tpu.memory_space<hbm>>
    tpu.wait_dma2 semaphore(%arg7 : memref<!tpu.dma_semaphore, #tpu.memory_space<semaphore_mem>>) src(%dma_wait3A_953 : memref<50176xf32, #tpu.memory_space<hbm>>) dst(%dma_wait3A_950 : memref<50176xf32, #tpu.memory_space<hbm>>)
    %dma_wait3A_954 = arith.constant 0 : i32
    %dma_wait3A_955 = arith.constant 0 : i32
    %dma_wait3A_956 = arith.constant 0 : i32
    %dma_wait3A_957 = tpu.memref_slice %arg4[%dma_wait3A_955, %dma_wait3A_956] : memref<768x50176xf32, #tpu.memory_space<hbm>> -> memref<1x50176xf32, #tpu.memory_space<hbm>>
    %dma_wait3A_958 = tpu.memref_squeeze %dma_wait3A_957 : memref<1x50176xf32, #tpu.memory_space<hbm>> -> memref<50176xf32, #tpu.memory_space<hbm>>
    %dma_wait3A_959 = arith.constant 0 : i32
    %dma_wait3A_960 = tpu.memref_slice %arg2[%dma_wait3A_954, %dma_wait3A_959] : memref<1536x50176xf32, #tpu.memory_space<hbm>> -> memref<1x50176xf32, #tpu.memory_space<hbm>>
    %dma_wait3A_961 = tpu.memref_squeeze %dma_wait3A_960 : memref<1x50176xf32, #tpu.memory_space<hbm>> -> memref<50176xf32, #tpu.memory_space<hbm>>
    tpu.wait_dma2 semaphore(%arg7 : memref<!tpu.dma_semaphore, #tpu.memory_space<semaphore_mem>>) src(%dma_wait3A_961 : memref<50176xf32, #tpu.memory_space<hbm>>) dst(%dma_wait3A_958 : memref<50176xf32, #tpu.memory_space<hbm>>)
    %dma_wait3A_962 = arith.constant 0 : i32
    %dma_wait3A_963 = arith.constant 0 : i32
    %dma_wait3A_964 = arith.constant 0 : i32
    %dma_wait3A_965 = tpu.memref_slice %arg4[%dma_wait3A_963, %dma_wait3A_964] : memref<768x50176xf32, #tpu.memory_space<hbm>> -> memref<1x50176xf32, #tpu.memory_space<hbm>>
    %dma_wait3A_966 = tpu.memref_squeeze %dma_wait3A_965 : memref<1x50176xf32, #tpu.memory_space<hbm>> -> memref<50176xf32, #tpu.memory_space<hbm>>
    %dma_wait3A_967 = arith.constant 0 : i32
    %dma_wait3A_968 = tpu.memref_slice %arg2[%dma_wait3A_962, %dma_wait3A_967] : memref<1536x50176xf32, #tpu.memory_space<hbm>> -> memref<1x50176xf32, #tpu.memory_space<hbm>>
    %dma_wait3A_969 = tpu.memref_squeeze %dma_wait3A_968 : memref<1x50176xf32, #tpu.memory_space<hbm>> -> memref<50176xf32, #tpu.memory_space<hbm>>
    tpu.wait_dma2 semaphore(%arg7 : memref<!tpu.dma_semaphore, #tpu.memory_space<semaphore_mem>>) src(%dma_wait3A_969 : memref<50176xf32, #tpu.memory_space<hbm>>) dst(%dma_wait3A_966 : memref<50176xf32, #tpu.memory_space<hbm>>)
    %dma_wait3A_970 = arith.constant 0 : i32
    %dma_wait3A_971 = arith.constant 0 : i32
    %dma_wait3A_972 = arith.constant 0 : i32
    %dma_wait3A_973 = tpu.memref_slice %arg4[%dma_wait3A_971, %dma_wait3A_972] : memref<768x50176xf32, #tpu.memory_space<hbm>> -> memref<1x50176xf32, #tpu.memory_space<hbm>>
    %dma_wait3A_974 = tpu.memref_squeeze %dma_wait3A_973 : memref<1x50176xf32, #tpu.memory_space<hbm>> -> memref<50176xf32, #tpu.memory_space<hbm>>
    %dma_wait3A_975 = arith.constant 0 : i32
    %dma_wait3A_976 = tpu.memref_slice %arg2[%dma_wait3A_970, %dma_wait3A_975] : memref<1536x50176xf32, #tpu.memory_space<hbm>> -> memref<1x50176xf32, #tpu.memory_space<hbm>>
    %dma_wait3A_977 = tpu.memref_squeeze %dma_wait3A_976 : memref<1x50176xf32, #tpu.memory_space<hbm>> -> memref<50176xf32, #tpu.memory_space<hbm>>
    tpu.wait_dma2 semaphore(%arg7 : memref<!tpu.dma_semaphore, #tpu.memory_space<semaphore_mem>>) src(%dma_wait3A_977 : memref<50176xf32, #tpu.memory_space<hbm>>) dst(%dma_wait3A_974 : memref<50176xf32, #tpu.memory_space<hbm>>)
    %dma_wait3A_978 = arith.constant 0 : i32
    %dma_wait3A_979 = arith.constant 0 : i32
    %dma_wait3A_980 = arith.constant 0 : i32
    %dma_wait3A_981 = tpu.memref_slice %arg4[%dma_wait3A_979, %dma_wait3A_980] : memref<768x50176xf32, #tpu.memory_space<hbm>> -> memref<1x50176xf32, #tpu.memory_space<hbm>>
    %dma_wait3A_982 = tpu.memref_squeeze %dma_wait3A_981 : memref<1x50176xf32, #tpu.memory_space<hbm>> -> memref<50176xf32, #tpu.memory_space<hbm>>
    %dma_wait3A_983 = arith.constant 0 : i32
    %dma_wait3A_984 = tpu.memref_slice %arg2[%dma_wait3A_978, %dma_wait3A_983] : memref<1536x50176xf32, #tpu.memory_space<hbm>> -> memref<1x50176xf32, #tpu.memory_space<hbm>>
    %dma_wait3A_985 = tpu.memref_squeeze %dma_wait3A_984 : memref<1x50176xf32, #tpu.memory_space<hbm>> -> memref<50176xf32, #tpu.memory_space<hbm>>
    tpu.wait_dma2 semaphore(%arg7 : memref<!tpu.dma_semaphore, #tpu.memory_space<semaphore_mem>>) src(%dma_wait3A_985 : memref<50176xf32, #tpu.memory_space<hbm>>) dst(%dma_wait3A_982 : memref<50176xf32, #tpu.memory_space<hbm>>)
    %dma_wait3A_986 = arith.constant 0 : i32
    %dma_wait3A_987 = arith.constant 0 : i32
    %dma_wait3A_988 = arith.constant 0 : i32
    %dma_wait3A_989 = tpu.memref_slice %arg4[%dma_wait3A_987, %dma_wait3A_988] : memref<768x50176xf32, #tpu.memory_space<hbm>> -> memref<1x50176xf32, #tpu.memory_space<hbm>>
    %dma_wait3A_990 = tpu.memref_squeeze %dma_wait3A_989 : memref<1x50176xf32, #tpu.memory_space<hbm>> -> memref<50176xf32, #tpu.memory_space<hbm>>
    %dma_wait3A_991 = arith.constant 0 : i32
    %dma_wait3A_992 = tpu.memref_slice %arg2[%dma_wait3A_986, %dma_wait3A_991] : memref<1536x50176xf32, #tpu.memory_space<hbm>> -> memref<1x50176xf32, #tpu.memory_space<hbm>>
    %dma_wait3A_993 = tpu.memref_squeeze %dma_wait3A_992 : memref<1x50176xf32, #tpu.memory_space<hbm>> -> memref<50176xf32, #tpu.memory_space<hbm>>
    tpu.wait_dma2 semaphore(%arg7 : memref<!tpu.dma_semaphore, #tpu.memory_space<semaphore_mem>>) src(%dma_wait3A_993 : memref<50176xf32, #tpu.memory_space<hbm>>) dst(%dma_wait3A_990 : memref<50176xf32, #tpu.memory_space<hbm>>)
    return
  }
}

</mosaic_0001>

<sc_bundles>
// kernel: kernel.3.cloned.1.call-start
scs
__scs_entry_jumppad:
0x0: {  	(pc) =	sbr.rel $0x88, $3  }
0x1: {  	(tag) =	ssettag $0x0;
	lr =	simm.s32 $0x1  }
0x2: {  	[smem:$0x3F9E] =	sst lr;
	_ =	strace $0xD0000000  }
0x3: {  	_ = 	snop  }
0x4: {  	_ = 	snop  }
0x5: {  	_ = 	snop  }
0x6: {  	_ = 	snop  }
0x7: {  	_ = 	snop  }
__scs_overlays_trampoline_lowered:
0x8: {  	[smem:$0x3FAD] =	sst s0  }
0x9: {  	[smem:$0x3FAE] =	sst s1  }
0xa: {  	[smem:$0x3FAF] =	sst s2  }
0xb: {  	[smem:$0x3FB0] =	sst s3  }
0xc: {  	[smem:$0x3FB1] =	sst s4  }
0xd: {  	[smem:$0x3FB2] =	sst s5  }
0xe: {  	[smem:$0x3FB3] =	sst s6  }
0xf: {  	[smem:$0x3FB4] =	sst s7  }
0x10: {  	[smem:$0x3FB5] =	sst s8  }
0x11: {  	[smem:$0x3FB6] =	sst s9;
	s0 =	simm.s32 @!p0 $0x0  }
0x12: {  	s1 =	sld [smem:$0x3F9C];
	s0 =	simm.s32 @p0 $0x1  }
0x13: {  	[smem:$0x3FB7] =	sst s0;
	s0 =	simm.s32 @!p1 $0x0  }
0x14: {  	s2 =	sld [smem:$0x3F9B];
	s0 =	simm.s32 @p1 $0x1  }
0x15: {  	[smem:$0x3FB8] =	sst s0;
	s0 =	simm.s32 @!p2 $0x0  }
0x16: {  	s3 =	sld [smem:$0x3FDB];
	s0 =	simm.s32 @p2 $0x1  }
0x17: {  	s4 =	simm.s32 $0x1BF5;
	[smem:$0x3FBA] =	sst s0  }
0x18: {  	s0 =	sld [smem:$0x3F9D];
	_ =	swait.ge [sflag:s4], $0x0  }
0x19: {  	s7 =	sld [smem:$0x3F9E]  }
0x1a: {  	s8 =	sadd.s32 $0xFFFFE003, lr  }
0x1b: {  	s9 =	sadd.s32 $0xFFFFFEF7, lr;
	s5 =	simm.s32 $0xFFFFFFFF;
	p2 =	slt.u32 s8, $0xFFFFF086  }
0x1c: {  	p1 =	slt.u32 s9, $0xF7A;
	s5 =	simm.s32 @!p2 $0x0  }
0x1d: {  	s5 =	simm.s32 @p1 $0x1;
	p0 =	seq.s32 s7, s2  }
0x1e: {  	s7 =	smul.u32 @!p0 $0xF7A, s2;
	p2 =	seq.s32 @!p0 s5, $0x0  }
0x1f: {  	s9 =	smul.u32 $0xF7A, s1;
	s8 =	simm.s32 @!p0 $0x1BF5;
	p2 =	por !p2, p0  }
0x20: {  	[sflag:s8] =	ssyncset.s32 @!p0 $0xFFFFF086;
	s6 =	sadd.s32 @!p0 s3, s7;
	s7 =	simm.s32 @!p0 $0x108  }
0x21: {  	s3 =	sadd.s32 s3, s9;
	s6 =	sadd.s32 @!p0 $0x88, s6;
	s7 =	simm.s32 @p2 $0x1082  }
0x22: {  	[simem:s7], [sflag:s8] =	dma.local @!p0 [hbm:s6], $0xF7A  }
0x23: {  	s9 =	sor.u32 $0xD0000000, s2;
	s6 =	simm.s32 $0x108;
	_ =	swait.ge @!p0 [sflag:s8], $0x0  }
0x24: {  	s3 =	sadd.s32 $0x88, s3;
	s6 =	simm.s32 @!p1 $0x1082;
	[sflag:s4] =	ssyncset.s32 $0xFFFFF086  }
0x25: {  	[simem:s6], [sflag:s4] =	dma.local [hbm:s3], $0xF7A  }
0x26: {  	[smem:$0x3F9E] =	sst s1;
	(tag) =	ssettag s2;
	_ =	strace s9  }
0x27: {  	s1 =	sld [smem:$0x3FAE]  }
0x28: {  	s2 =	sld [smem:$0x3FAF]  }
0x29: {  	s4 =	sld [smem:$0x3FB1]  }
0x2a: {  	p0 =	seq.s32 s5, $0x0;
	s5 =	sld [smem:$0x3FB2]  }
0x2b: {  	s6 =	sld [smem:$0x3FB3]  }
0x2c: {  	s7 =	sld [smem:$0x3FB4]  }
0x2d: {  	s3 =	simm.s32 $0x108;
	s8 =	sld [smem:$0x3FB5]  }
0x2e: {  	s3 =	simm.s32 @!p0 $0x1082;
	s9 =	sld [smem:$0x3FB6]  }
0x2f: {  	lr =	sadd.s32 s0, s3;
	s0 =	sld [smem:$0x3FAD]  }
0x30: {  	s3 =	sld [smem:$0x3FB0]  }
0x31: {  	[smem:$0x3FB9] =	sst s10  }
0x32: {  	s10 =	sld [smem:$0x3FB7];
	_ =	sdelay $0x3  }
0x33: {  	p0 =	seq.s32 s10, $0x1;
	s10 =	sld [smem:$0x3FB9];
	_ =	sdelay $0x3  }
0x34: {  	[smem:$0x3FB9] =	sst s10  }
0x35: {  	s10 =	sld [smem:$0x3FB8];
	_ =	sdelay $0x3  }
0x36: {  	p1 =	seq.s32 s10, $0x1;
	s10 =	sld [smem:$0x3FB9];
	_ =	sdelay $0x3  }
0x37: {  	[smem:$0x3FB9] =	sst s10  }
0x38: {  	s10 =	sld [smem:$0x3FBA]  }
0x39: {  	_ = 	snop;
	(pc) =	sbr.ind lr, $3  }
0x3a: {  	_ = 	snop  }
0x3b: {  	_ = 	snop  }
0x3c: {  	p2 =	seq.s32 s10, $0x1;
	s10 =	sld [smem:$0x3FB9]  }
0x3d: {  	_ =	shalt  }
0x3e: {  	_ =	shalt  }
0x3f: {  	_ =	shalt  }
0x40: {  	_ =	shalt  }
0x41: {  	_ =	shalt  }
0x42: {  	_ =	shalt  }
0x43: {  	_ =	shalt  }
0x44: {  	_ =	shalt  }
0x45: {  	_ =	shalt  }
0x46: {  	_ =	shalt  }
0x47: {  	_ =	shalt  }
0x48: {  	_ =	shalt  }
0x49: {  	_ =	shalt  }
0x4a: {  	_ =	shalt  }
0x4b: {  	_ =	shalt  }
0x4c: {  	_ =	shalt  }
0x4d: {  	_ =	shalt  }
0x4e: {  	_ =	shalt  }
0x4f: {  	_ =	shalt  }
0x50: {  	_ =	shalt  }
0x51: {  	_ =	shalt  }
0x52: {  	_ =	shalt  }
0x53: {  	_ =	shalt  }
0x54: {  	_ =	shalt  }
0x55: {  	_ =	shalt  }
0x56: {  	_ =	shalt  }
0x57: {  	_ =	shalt  }
0x58: {  	_ =	shalt  }
0x59: {  	_ =	shalt  }
0x5a: {  	_ =	shalt  }
0x5b: {  	_ =	shalt  }
0x5c: {  	_ =	shalt  }
0x5d: {  	_ =	shalt  }
0x5e: {  	_ =	shalt  }
0x5f: {  	_ =	shalt  }
0x60: {  	_ =	shalt  }
0x61: {  	_ =	shalt  }
0x62: {  	_ =	shalt  }
0x63: {  	_ =	shalt  }
0x64: {  	_ =	shalt  }
0x65: {  	_ =	shalt  }
0x66: {  	_ =	shalt  }
0x67: {  	_ =	shalt  }
0x68: {  	_ =	shalt  }
0x69: {  	_ =	shalt  }
0x6a: {  	_ =	shalt  }
0x6b: {  	_ =	shalt  }
0x6c: {  	_ =	shalt  }
0x6d: {  	_ =	shalt  }
0x6e: {  	_ =	shalt  }
0x6f: {  	_ =	shalt  }
0x70: {  	_ =	shalt  }
0x71: {  	_ =	shalt  }
0x72: {  	_ =	shalt  }
0x73: {  	_ =	shalt  }
0x74: {  	_ =	shalt  }
0x75: {  	_ =	shalt  }
0x76: {  	_ =	shalt  }
0x77: {  	_ =	shalt  }
0x78: {  	_ =	shalt  }
0x79: {  	_ =	shalt  }
0x7a: {  	_ =	shalt  }
0x7b: {  	_ =	shalt  }
0x7c: {  	_ =	shalt  }
0x7d: {  	_ =	shalt  }
0x7e: {  	_ =	shalt  }
0x7f: {  	_ =	shalt  }
0x80: {  	_ =	shalt  }
0x81: {  	_ =	shalt  }
0x82: {  	_ =	shalt  }
0x83: {  	_ =	shalt  }
0x84: {  	_ =	shalt  }
0x85: {  	_ =	shalt  }
0x86: {  	_ =	shalt  }
0x87: {  	_ =	shalt  }
.Lfunc_end0:
.L_simem_size_0:
called_computation_lowered:
.L_overlay_start_0:
0x88: {  	s2 =	sld [smem:$0x3FD9]  }
0x89: {  	s3 =	sld [smem:$0x3FFE];
	_ =	sdelay $0x1  }
0x8a: {  	s1 =	srdreg.scid  }
0x8b: {  	s0 =	sand.u32 $0x1, s1  }
0x8c: {  	s14 =	sshll.u32 s0, $0xA;
	s2 =	sadd.s32 s3, s2  }
0x8d: {  	s2 =	sadd.s32 s2, s14  }
0x8e: {  	[smem:$0x3FC5] =	sst s2  }
0x8f: {  	_ = 	snop  }
0x90: {  	s2 =	sld [smem:$0x3FD0];
	_ =	sdelay $0x2  }
0x91: {  	s15 =	simm.s32 $0xA;
	s4 =	simm.s32 $0x10  }
0x92: {  	[smem:s4], [sflag:s15] =	dma.local [hbm:s2], $0x1  }
0x93: {  	_ =	swait.eq [sflag:s15], $0x1  }
0x94: {  	[sflag:s15] =	ssyncset.done $0x0  }
0x95: {  	s16 =	sld [smem:$0x10];
	[sflag:s15] =	ssyncadd.s32 $0xFFFFFFFF  }
0x96: {  	s17 =	sld [smem:$0x11];
	(tm) =	ssettm $0x1  }
0x97: {  	s18 =	sld [smem:$0x3FFB];
	_ =	sdelay $0x3  }
0x98: {  	_ =	strace s18  }
0x99: {  	s4 =	sld [smem:$0x3FFC];
	_ =	sdelay $0x3  }
0x9a: {  	_ =	strace s4  }
0x9b: {  	s4 =	sld [smem:$0x3FFD];
	_ =	sdelay $0x3  }
0x9c: {  	_ =	strace s4  }
0x9d: {  	_ =	strace $0x8FFFFFFF  }
0x9e: {  	s19 =	sld [smem:$0x3FDB];
	_ =	sdelay $0x1  }
0x9f: {  	s5 =	simm.s32 $_scs_section_size  }
0xa0: {  	s6 =	simm.s32 $_size__tile_overlayer_lowered;
	s7 =	simm.s32 $_tile_overlayer_lowered  }
0xa1: {  	s22 =	simm.s32 $0x1BFF;
	s21 =	sshll.u32 s7, $0x1;
	s4 =	sadd.s32 s5, s19  }
0xa2: {  	s8 =	simm.s32 $0x0;
	s20 =	sshll.u32 s6, $0x1;
	s6 =	sadd.s32 s21, s4  }
0xa3: {  	[timem:s8], [sflag:s22] =	dma.local [hbm:s6], s20  }
0xa4: {  	_ =	swait.ge [sflag:s22], s20  }
0xa5: {  	s5 =	ssub.s32 $0x0, s20;
	[sflag:s22] =	ssyncset.done $0x0  }
0xa6: {  	[sflag:s22] =	ssyncadd.s32 s5;
	_ =	sdelay $0x1  }
0xa7: {  	s23 =	simm.s32 $0x1B8B  }
0xa8: {  	_ =	swait.ge [sflag:s23], $0x1  }
0xa9: {  	[sflag:s23] =	ssyncset.done $0x0  }
0xaa: {  	s25 =	simm.s32 $0x1B8E;
	s24 =	sld [smem:$0x3FFE];
	[sflag:s23] =	ssyncadd.s32 $0xFFFFFFFF  }
0xab: {  	s26 =	simm.s32 $execute0_lowered;
	[smem:$0x3FD2] =	sst s25  }
0xac: {  	s6 =	sshll.u32 s26, $0x1;
	_ =	strace $0x80000046;
	[dreg:$0x1] =	wrdreg $0xFFFFFFFF  }
0xad: {  	s28 =	simm.s32 $_size_execute0_lowered;
	s4 =	sadd.s32 s4, s6;
	[dreg:$0x0] =	wrdreg $0x0  }
0xae: {  	s6 =	sshll.u32 s28, $0x1;
	[dreg:$0x2] =	wrdreg s4  }
0xaf: {  	[dreg:$0x3] =	wrdreg s6  }
0xb0: {  	[dreg:$0x4] =	wrdreg $0xC0  }
0xb1: {  	_ =	task [dreg:s8], $0x5FFFF  }
0xb2: {  	[dreg:$0x1] =	wrdreg $0xFFFFFFFF  }
0xb3: {  	[dreg:$0x0] =	wrdreg $0x60  }
0xb4: {  	[dreg:$0x2] =	wrdreg s24  }
0xb5: {  	[dreg:$0x3] =	wrdreg s16  }
0xb6: {  	[dreg:$0x4] =	wrdreg s17  }
0xb7: {  	[dreg:$0x5] =	wrdreg $0x9  }
0xb8: {  	_ =	task.clear_ibuf [dreg:s8], $0x6FFFF;
	_ =	strace $0x90000046  }
0xb9: {  	s29 =	simm.s32 $0x9;
	_ =	strace $0x80000048  }
0xba: {  	_ =	swait.ge [sflag:s29], $0x1  }
0xbb: {  	[sflag:s29] =	ssyncadd.s32 $0xFFFFFFFF  }
0xbc: {  	_ =	strace $0x90000048  }
0xbd: {  	_ =	sfence  }
0xbe: {  	s30 =	sld [smem:$0x0];
	_ =	sdelay $0x2  }
0xbf: {  	s31 =	sshll.u32 s1, $0xD;
	s1 =	sshrl.u32 s1, $0x2  }
0xc0: {  	s3 =	sand.u32 $0x4000, s31;
	s1 =	sadd.s32 s1, s30  }
0xc1: {  	s0 =	sor.u32 s3, s0;
	s1 =	sshll.u32 s1, $0x11  }
0xc2: {  	s0 =	sor.u32 s1, s0  }
0xc3: {  	s0 =	sadd.s32 $0x8F2B, s0  }
0xc4: {  	[sflag:s0] =	ssyncadd.remote.s32 $0x1  }
0xc5: {  	_ =	sfence.sel $0xFFFF  }
0xc6: {  	[dreg:$0x0] =	wrdreg $0xFFFFFFFF;
	(pc) =	sbr.abs _section_cstart, $3  }
0xc7: {  	[dreg:$0x1] =	wrdreg $0xFFFFFFFF  }
0xc8: {  	_ =	task.clear_ibuf [dreg:s8], $0x2FFFF;
	_ =	strace $0x9FFFFFFF  }
0xc9: {  	(tm) =	ssettm $0x7FFFFFFF  }
tec
execute0_lowered:
.L_overlay_start_1:
0x0: {  	(tag) =	ssettag $0x1  }
0x1: {  	s1 =	srdreg.scid;
	s0 =	stileid.u32  }
0x2: {  	s5 =	sand.u32 $0x1, s1;
	s16 =	sshll.u32 s0, $0x1  }
0x3: {  	s4 =	sor.u32 s5, s16  }
0x4: {  	s3 =	rddreg [dreg:$0x0];
	s13 =	smul.u32 $0x18, s4  }
0x5: {  	s17 =	rddreg [dreg:$0x1]  }
0x6: {  	s2 =	simm.s32 $0x0;
	[dreg:$0x4] =	wrdreg s17;
	s7 =	sshrl.u32 s13, $0x3  }
0x7: {  	[smem:$0x7FF] =	sst s2;
	s15 =	sadd.s32 $0x8, s13;
	s7 =	smul.u32 $0xC400, s7  }
0x8: {  	s6 =	rddreg [dreg:$0x2];
	_ =	strace $0x80000047;
	s19 =	sshrl.u32 s15, $0x3  }
0x9: {  	s9 =	sadd.s32 s6, s7;
	s8 =	sor.u32 $0x10, s7;
	s13 =	sor.u32 $0x60, s7  }
0xa: {  	s15 =	sor.u32 $0x70, s7;
	[dreg:$0x5] =	wrdreg s9;
	s10 =	sadd.s32 s6, s8  }
0xb: {  	s9 =	sor.u32 $0x20, s7;
	s16 =	sadd.s32 s6, s13;
	[dreg:$0x6] =	wrdreg s10  }
0xc: {  	s11 =	sadd.s32 s6, s9;
	s10 =	sor.u32 $0x30, s7;
	[dreg:$0xb] =	wrdreg s16  }
0xd: {  	[dreg:$0x7] =	wrdreg s11;
	s12 =	sadd.s32 s6, s10;
	s11 =	sor.u32 $0x40, s7  }
0xe: {  	s20 =	sadd.s32 s6, s15;
	[dreg:$0x8] =	wrdreg s12;
	s14 =	sadd.s32 s6, s11  }
0xf: {  	s12 =	sor.u32 $0x50, s7;
	[dreg:$0x9] =	wrdreg s14;
	s14 =	smul.u32 $0xC400, s19  }
0x10: {  	[dreg:$0xc] =	wrdreg s20;
	s18 =	sadd.s32 s6, s12  }
0x11: {  	[dreg:$0xa] =	wrdreg s18;
	s17 =	sadd.s32 s6, s14;
	s16 =	sor.u32 $0x10, s14  }
0x12: {  	s20 =	sor.u32 $0x40, s14;
	[dreg:$0xd] =	wrdreg s17;
	s18 =	sadd.s32 s6, s16  }
0x13: {  	s17 =	sor.u32 $0x20, s14;
	s22 =	sadd.s32 s6, s20;
	[dreg:$0xe] =	wrdreg s18  }
0x14: {  	s19 =	sadd.s32 s6, s17;
	s18 =	sor.u32 $0x30, s14;
	[dreg:$0x11] =	wrdreg s22  }
0x15: {  	s22 =	sor.u32 $0x60, s14;
	[dreg:$0xf] =	wrdreg s19;
	s21 =	sadd.s32 s6, s18  }
0x16: {  	s24 =	sadd.s32 s6, s22;
	[dreg:$0x10] =	wrdreg s21;
	s21 =	sor.u32 $0x50, s14  }
0x17: {  	[dreg:$0x13] =	wrdreg s24;
	s24 =	sadd.s32 $0x18800, s7;
	s23 =	sadd.s32 s6, s21  }
0x18: {  	s26 =	sadd.s32 s6, s24;
	[dreg:$0x12] =	wrdreg s23;
	s23 =	sor.u32 $0x70, s14  }
0x19: {  	[dreg:$0x15] =	wrdreg s26;
	s26 =	sadd.s32 $0x18820, s7;
	s25 =	sadd.s32 s6, s23  }
0x1a: {  	s29 =	sadd.s32 s6, s26;
	[dreg:$0x14] =	wrdreg s25;
	s25 =	sadd.s32 $0x18810, s7  }
0x1b: {  	[dreg:$0x17] =	wrdreg s29;
	s29 =	sadd.s32 $0x18840, s7;
	s28 =	sadd.s32 s6, s25  }
0x1c: {  	s31 =	sadd.s32 s6, s29;
	[dreg:$0x16] =	wrdreg s28;
	s28 =	sadd.s32 $0x18830, s7  }
0x1d: {  	[dreg:$0x19] =	wrdreg s31;
	s31 =	sadd.s32 $0x18860, s7;
	s30 =	sadd.s32 s6, s28  }
0x1e: {  	s19 =	sadd.s32 s6, s31;
	[dreg:$0x18] =	wrdreg s30;
	s30 =	sadd.s32 $0x18850, s7  }
0x1f: {  	[dreg:$0x1b] =	wrdreg s19;
	s19 =	sadd.s32 $0x930400, s3;
	s1 =	sadd.s32 s6, s30  }
0x20: {  	s14 =	sadd.s32 s19, s14;
	[dreg:$0x1a] =	wrdreg s1  }
0x21: {  	s30 =	sadd.s32 s19, s30;
	[smem:$0x7EE] =	sst s14  }
0x22: {  	s31 =	sadd.s32 s19, s31;
	[smem:$0x7FB] =	sst s30  }
0x23: {  	s1 =	sadd.s32 $0x18870, s7;
	s7 =	sadd.s32 s19, s7;
	[smem:$0x7FC] =	sst s31  }
0x24: {  	s6 =	sadd.s32 s6, s1;
	[dreg:$0x1d] =	wrdreg s7  }
0x25: {  	s7 =	sadd.s32 s19, s8;
	[dreg:$0x1c] =	wrdreg s6  }
0x26: {  	s8 =	sadd.s32 s19, s9;
	[dreg:$0x1e] =	wrdreg s7  }
0x27: {  	s9 =	sadd.s32 s19, s10;
	[dreg:$0x1f] =	wrdreg s8  }
0x28: {  	s10 =	sadd.s32 s19, s11;
	[smem:$0x7E9] =	sst s9  }
0x29: {  	s11 =	sadd.s32 s19, s12;
	[smem:$0x7EA] =	sst s10  }
0x2a: {  	s12 =	sadd.s32 s19, s13;
	[smem:$0x7EB] =	sst s11  }
0x2b: {  	s13 =	sadd.s32 s19, s15;
	[smem:$0x7EC] =	sst s12  }
0x2c: {  	s15 =	sadd.s32 s19, s16;
	[smem:$0x7ED] =	sst s13  }
0x2d: {  	s16 =	sadd.s32 s19, s17;
	[smem:$0x7EF] =	sst s15  }
0x2e: {  	s17 =	sadd.s32 s19, s18;
	[smem:$0x7F0] =	sst s16  }
0x2f: {  	s18 =	sadd.s32 s19, s20;
	[smem:$0x7F1] =	sst s17  }
0x30: {  	s20 =	sadd.s32 s19, s21;
	[smem:$0x7F2] =	sst s18  }
0x31: {  	s21 =	sadd.s32 s19, s22;
	[smem:$0x7F3] =	sst s20  }
0x32: {  	s22 =	sadd.s32 s19, s23;
	[smem:$0x7F4] =	sst s21  }
0x33: {  	s23 =	sadd.s32 s19, s24;
	[smem:$0x7F5] =	sst s22  }
0x34: {  	s24 =	sadd.s32 s19, s25;
	[smem:$0x7F6] =	sst s23  }
0x35: {  	s5 =	ssub.s32 $0x2, s5;
	s25 =	sadd.s32 s19, s26;
	[smem:$0x7F7] =	sst s24  }
0x36: {  	s4 =	smul.u32 $0x30, s4;
	s26 =	sadd.s32 s19, s28;
	[smem:$0x7F8] =	sst s25  }
0x37: {  	s3 =	sadd.s32 $0x400, s3;
	s28 =	sadd.s32 s19, s29;
	[smem:$0x7F9] =	sst s26  }
0x38: {  	s29 =	sshrl.u32 s5, $0x1;
	s1 =	sadd.s32 s19, s1;
	[smem:$0x7FA] =	sst s28  }
0x39: {  	s5 =	ssub.s32 s5, s29;
	[smem:$0x7FD] =	sst s1;
	s6 =	simm.s32 $0x2  }
0x3a: {  	s7 =	simm.s32 $0x1;
	s8 =	simm.s32 $0x80;
	s5 =	smax.u32 s5, $0x1  }
.LBB2_1:
0x3b: {  	s1 =	rddreg [dreg:$0x4]  }
0x3c: {  	[tilespmem:s2], [sflag:$0x2] =	stream.linear.gather [hbm4b:s1+s2], $0xC00, $0x38;
	[tilespmem:$0xC00] =	vst v63  }
0x3d: {  	_ =	swait.ge [sflag:s6], $0xC00  }
0x3e: {  	[sflag:s6] =	ssyncset.done $0x0  }
0x3f: {  	[sflag:s6] =	ssyncadd.s32 $0xFFFFF400  }
0x40: {  	v0 =	vld [tilespmem:s4+$0x0];
	_ =	sdelay $0x4  }
0x41: {  	(v2sf) =	vpush v0, $0x0;
	_ =	sdelay $0xe  }
0x42: {  	s16 =	spop (v2sf)  }
0x43: {  	s9 =	sshrl.u32 s16, $0x3  }
0x44: {  	s1 =	sshll.u32 s16, $0x7;
	s9 =	smul.u32 $0x62000, s9  }
0x45: {  	s1 =	sand.u32 $0x380, s1  }
0x46: {  	s1 =	sor.u32 s1, s9  }
0x47: {  	s17 =	sshll.u32 s0, $0x6;
	s1 =	sshrl.u32 s1, $0x3  }
0x48: {  	s10 =	rddreg [dreg:$0x5];
	s9 =	sor.u32 $0x1C01, s17;
	s1 =	sadd.s32 s3, s1  }
0x49: {  	[hbm:s10@s8], [sflag:s9] =	dma.strided [hbm:s1@s8], $0x1880, s7, $0x10   }
0x4a: {  	(v2sf) =	vpush v0, $0x1;
	_ =	sdelay $0xe  }
0x4b: {  	s1 =	spop (v2sf)  }
0x4c: {  	s18 =	sshrl.u32 s1, $0x3  }
0x4d: {  	s1 =	sshll.u32 s1, $0x7;
	s10 =	smul.u32 $0x62000, s18  }
0x4e: {  	s1 =	sand.u32 $0x380, s1  }
0x4f: {  	s1 =	sor.u32 s1, s10  }
0x50: {  	s1 =	sshrl.u32 s1, $0x3  }
0x51: {  	s19 =	rddreg [dreg:$0x6];
	s1 =	sadd.s32 s3, s1  }
0x52: {  	[hbm:s19@s8], [sflag:s9] =	dma.strided [hbm:s1@s8], $0x1880, s7, $0x10   }
0x53: {  	(v2sf) =	vpush v0, $0x2;
	_ =	sdelay $0xe  }
0x54: {  	s1 =	spop (v2sf)  }
0x55: {  	s20 =	sshrl.u32 s1, $0x3  }
0x56: {  	s1 =	sshll.u32 s1, $0x7;
	s10 =	smul.u32 $0x62000, s20  }
0x57: {  	s1 =	sand.u32 $0x380, s1  }
0x58: {  	s1 =	sor.u32 s1, s10  }
0x59: {  	s1 =	sshrl.u32 s1, $0x3  }
0x5a: {  	s21 =	rddreg [dreg:$0x7];
	s1 =	sadd.s32 s3, s1  }
0x5b: {  	[hbm:s21@s8], [sflag:s9] =	dma.strided [hbm:s1@s8], $0x1880, s7, $0x10   }
0x5c: {  	(v2sf) =	vpush v0, $0x3;
	_ =	sdelay $0xe  }
0x5d: {  	s1 =	spop (v2sf)  }
0x5e: {  	s22 =	sshrl.u32 s1, $0x3  }
0x5f: {  	s1 =	sshll.u32 s1, $0x7;
	s10 =	smul.u32 $0x62000, s22  }
0x60: {  	s1 =	sand.u32 $0x380, s1  }
0x61: {  	s1 =	sor.u32 s1, s10  }
0x62: {  	s1 =	sshrl.u32 s1, $0x3  }
0x63: {  	s23 =	rddreg [dreg:$0x8];
	s1 =	sadd.s32 s3, s1  }
0x64: {  	[hbm:s23@s8], [sflag:s9] =	dma.strided [hbm:s1@s8], $0x1880, s7, $0x10   }
0x65: {  	(v2sf) =	vpush v0, $0x4;
	_ =	sdelay $0xe  }
0x66: {  	s1 =	spop (v2sf)  }
0x67: {  	s24 =	sshrl.u32 s1, $0x3  }
0x68: {  	s1 =	sshll.u32 s1, $0x7;
	s10 =	smul.u32 $0x62000, s24  }
0x69: {  	s1 =	sand.u32 $0x380, s1  }
0x6a: {  	s1 =	sor.u32 s1, s10  }
0x6b: {  	s1 =	sshrl.u32 s1, $0x3  }
0x6c: {  	s25 =	rddreg [dreg:$0x9];
	s1 =	sadd.s32 s3, s1  }
0x6d: {  	[hbm:s25@s8], [sflag:s9] =	dma.strided [hbm:s1@s8], $0x1880, s7, $0x10   }
0x6e: {  	(v2sf) =	vpush v0, $0x5;
	_ =	sdelay $0xe  }
0x6f: {  	s1 =	spop (v2sf)  }
0x70: {  	s26 =	sshrl.u32 s1, $0x3  }
0x71: {  	s1 =	sshll.u32 s1, $0x7;
	s10 =	smul.u32 $0x62000, s26  }
0x72: {  	s1 =	sand.u32 $0x380, s1  }
0x73: {  	s1 =	sor.u32 s1, s10  }
0x74: {  	s1 =	sshrl.u32 s1, $0x3  }
0x75: {  	s28 =	rddreg [dreg:$0xa];
	s1 =	sadd.s32 s3, s1  }
0x76: {  	[hbm:s28@s8], [sflag:s9] =	dma.strided [hbm:s1@s8], $0x1880, s7, $0x10   }
0x77: {  	(v2sf) =	vpush v0, $0x6;
	_ =	sdelay $0xe  }
0x78: {  	s1 =	spop (v2sf)  }
0x79: {  	s29 =	sshrl.u32 s1, $0x3  }
0x7a: {  	s1 =	sshll.u32 s1, $0x7;
	s10 =	smul.u32 $0x62000, s29  }
0x7b: {  	s1 =	sand.u32 $0x380, s1  }
0x7c: {  	s1 =	sor.u32 s1, s10  }
0x7d: {  	s1 =	sshrl.u32 s1, $0x3  }
0x7e: {  	s30 =	rddreg [dreg:$0xb];
	s1 =	sadd.s32 s3, s1  }
0x7f: {  	[hbm:s30@s8], [sflag:s9] =	dma.strided [hbm:s1@s8], $0x1880, s7, $0x10   }
0x80: {  	(v2sf) =	vpush v0, $0x7;
	_ =	sdelay $0xe  }
0x81: {  	s1 =	spop (v2sf)  }
0x82: {  	s31 =	sshrl.u32 s1, $0x3  }
0x83: {  	s1 =	sshll.u32 s1, $0x7;
	s10 =	smul.u32 $0x62000, s31  }
0x84: {  	s1 =	sand.u32 $0x380, s1  }
0x85: {  	s1 =	sor.u32 s1, s10  }
0x86: {  	s1 =	sshrl.u32 s1, $0x3  }
0x87: {  	s11 =	rddreg [dreg:$0xc];
	s1 =	sadd.s32 s3, s1  }
0x88: {  	[hbm:s11@s8], [sflag:s9] =	dma.strided [hbm:s1@s8], $0x1880, s7, $0x10   }
0x89: {  	(v2sf) =	vpush v0, $0x8;
	_ =	sdelay $0xe  }
0x8a: {  	s1 =	spop (v2sf)  }
0x8b: {  	s12 =	sshrl.u32 s1, $0x3  }
0x8c: {  	s1 =	sshll.u32 s1, $0x7;
	s10 =	smul.u32 $0x62000, s12  }
0x8d: {  	s1 =	sand.u32 $0x380, s1  }
0x8e: {  	s1 =	sor.u32 s1, s10  }
0x8f: {  	s1 =	sshrl.u32 s1, $0x3  }
0x90: {  	s13 =	rddreg [dreg:$0xd];
	s1 =	sadd.s32 s3, s1  }
0x91: {  	[hbm:s13@s8], [sflag:s9] =	dma.strided [hbm:s1@s8], $0x1880, s7, $0x10   }
0x92: {  	_ =	swait.ge [sflag:s7], $0x1880  }
0x93: {  	(v2sf) =	vpush v0, $0x9;
	_ =	sdelay $0xe  }
0x94: {  	s14 =	spop (v2sf)  }
0x95: {  	s15 =	sshrl.u32 s14, $0x3  }
0x96: {  	s1 =	sshll.u32 s14, $0x7;
	s10 =	smul.u32 $0x62000, s15  }
0x97: {  	s1 =	sand.u32 $0x380, s1  }
0x98: {  	s1 =	sor.u32 s1, s10  }
0x99: {  	[sflag:s7] =	ssyncset.done $0x0;
	s1 =	sshrl.u32 s1, $0x3  }
0x9a: {  	s16 =	rddreg [dreg:$0xe];
	[sflag:s7] =	ssyncadd.s32 $0xFFFFE780;
	s1 =	sadd.s32 s3, s1  }
0x9b: {  	[hbm:s16@s8], [sflag:s9] =	dma.strided [hbm:s1@s8], $0x1880, s7, $0x10   }
0x9c: {  	_ =	swait.ge [sflag:s7], $0x1880  }
0x9d: {  	(v2sf) =	vpush v0, $0xA;
	_ =	sdelay $0xe  }
0x9e: {  	s17 =	spop (v2sf)  }
0x9f: {  	s18 =	sshrl.u32 s17, $0x3  }
0xa0: {  	s1 =	sshll.u32 s17, $0x7;
	s10 =	smul.u32 $0x62000, s18  }
0xa1: {  	s1 =	sand.u32 $0x380, s1  }
0xa2: {  	s1 =	sor.u32 s1, s10  }
0xa3: {  	[sflag:s7] =	ssyncset.done $0x0;
	s1 =	sshrl.u32 s1, $0x3  }
0xa4: {  	s19 =	rddreg [dreg:$0xf];
	[sflag:s7] =	ssyncadd.s32 $0xFFFFE780;
	s1 =	sadd.s32 s3, s1  }
0xa5: {  	[hbm:s19@s8], [sflag:s9] =	dma.strided [hbm:s1@s8], $0x1880, s7, $0x10   }
0xa6: {  	_ =	swait.ge [sflag:s7], $0x1880  }
0xa7: {  	(v2sf) =	vpush v0, $0xB;
	_ =	sdelay $0xe  }
0xa8: {  	s20 =	spop (v2sf)  }
0xa9: {  	s21 =	sshrl.u32 s20, $0x3  }
0xaa: {  	s1 =	sshll.u32 s20, $0x7;
	s10 =	smul.u32 $0x62000, s21  }
0xab: {  	s1 =	sand.u32 $0x380, s1  }
0xac: {  	s1 =	sor.u32 s1, s10  }
0xad: {  	[sflag:s7] =	ssyncset.done $0x0;
	s1 =	sshrl.u32 s1, $0x3  }
0xae: {  	s22 =	rddreg [dreg:$0x10];
	[sflag:s7] =	ssyncadd.s32 $0xFFFFE780;
	s1 =	sadd.s32 s3, s1  }
0xaf: {  	[hbm:s22@s8], [sflag:s9] =	dma.strided [hbm:s1@s8], $0x1880, s7, $0x10   }
0xb0: {  	_ =	swait.ge [sflag:s7], $0x1880  }
0xb1: {  	(v2sf) =	vpush v0, $0xC;
	_ =	sdelay $0xe  }
0xb2: {  	s23 =	spop (v2sf)  }
0xb3: {  	s24 =	sshrl.u32 s23, $0x3  }
0xb4: {  	s1 =	sshll.u32 s23, $0x7;
	s10 =	smul.u32 $0x62000, s24  }
0xb5: {  	s1 =	sand.u32 $0x380, s1  }
0xb6: {  	s1 =	sor.u32 s1, s10  }
0xb7: {  	[sflag:s7] =	ssyncset.done $0x0;
	s1 =	sshrl.u32 s1, $0x3  }
0xb8: {  	s25 =	rddreg [dreg:$0x11];
	[sflag:s7] =	ssyncadd.s32 $0xFFFFE780;
	s1 =	sadd.s32 s3, s1  }
0xb9: {  	[hbm:s25@s8], [sflag:s9] =	dma.strided [hbm:s1@s8], $0x1880, s7, $0x10   }
0xba: {  	_ =	swait.ge [sflag:s7], $0x1880  }
0xbb: {  	(v2sf) =	vpush v0, $0xD;
	_ =	sdelay $0xe  }
0xbc: {  	s26 =	spop (v2sf)  }
0xbd: {  	s28 =	sshrl.u32 s26, $0x3  }
0xbe: {  	s1 =	sshll.u32 s26, $0x7;
	s10 =	smul.u32 $0x62000, s28  }
0xbf: {  	s1 =	sand.u32 $0x380, s1  }
0xc0: {  	s1 =	sor.u32 s1, s10  }
0xc1: {  	[sflag:s7] =	ssyncset.done $0x0;
	s1 =	sshrl.u32 s1, $0x3  }
0xc2: {  	s29 =	rddreg [dreg:$0x12];
	[sflag:s7] =	ssyncadd.s32 $0xFFFFE780;
	s1 =	sadd.s32 s3, s1  }
0xc3: {  	[hbm:s29@s8], [sflag:s9] =	dma.strided [hbm:s1@s8], $0x1880, s7, $0x10   }
0xc4: {  	_ =	swait.ge [sflag:s7], $0x1880  }
0xc5: {  	(v2sf) =	vpush v0, $0xE;
	_ =	sdelay $0xe  }
0xc6: {  	s30 =	spop (v2sf)  }
0xc7: {  	s31 =	sshrl.u32 s30, $0x3  }
0xc8: {  	s1 =	sshll.u32 s30, $0x7;
	s10 =	smul.u32 $0x62000, s31  }
0xc9: {  	s1 =	sand.u32 $0x380, s1  }
0xca: {  	s1 =	sor.u32 s1, s10  }
0xcb: {  	[sflag:s7] =	ssyncset.done $0x0;
	s1 =	sshrl.u32 s1, $0x3  }
0xcc: {  	s11 =	rddreg [dreg:$0x13];
	[sflag:s7] =	ssyncadd.s32 $0xFFFFE780;
	s1 =	sadd.s32 s3, s1  }
0xcd: {  	[hbm:s11@s8], [sflag:s9] =	dma.strided [hbm:s1@s8], $0x1880, s7, $0x10   }
0xce: {  	_ =	swait.ge [sflag:s7], $0x1880  }
0xcf: {  	(v2sf) =	vpush v0, $0xF;
	_ =	sdelay $0xe  }
0xd0: {  	s12 =	spop (v2sf)  }
0xd1: {  	s13 =	sshrl.u32 s12, $0x3  }
0xd2: {  	s1 =	sshll.u32 s12, $0x7;
	s10 =	smul.u32 $0x62000, s13  }
0xd3: {  	s1 =	sand.u32 $0x380, s1  }
0xd4: {  	s1 =	sor.u32 s1, s10  }
0xd5: {  	[sflag:s7] =	ssyncset.done $0x0;
	s1 =	sshrl.u32 s1, $0x3  }
0xd6: {  	s14 =	rddreg [dreg:$0x14];
	[sflag:s7] =	ssyncadd.s32 $0xFFFFE780;
	s1 =	sadd.s32 s3, s1  }
0xd7: {  	[hbm:s14@s8], [sflag:s9] =	dma.strided [hbm:s1@s8], $0x1880, s7, $0x10   }
0xd8: {  	_ =	swait.ge [sflag:s7], $0x1880  }
0xd9: {  	[sflag:s7] =	ssyncset.done $0x0  }
0xda: {  	[sflag:s7] =	ssyncadd.s32 $0xFFFFE780  }
0xdb: {  	v61 =	vld [tilespmem:s4+$0x10];
	_ =	sdelay $0x4  }
0xdc: {  	(v2sf) =	vpush v61, $0x0;
	_ =	sdelay $0xe  }
0xdd: {  	s15 =	spop (v2sf)  }
0xde: {  	s16 =	sshrl.u32 s15, $0x3  }
0xdf: {  	s1 =	sshll.u32 s15, $0x7;
	s10 =	smul.u32 $0x62000, s16  }
0xe0: {  	s1 =	sand.u32 $0x380, s1  }
0xe1: {  	s1 =	sor.u32 s1, s10  }
0xe2: {  	s1 =	sshrl.u32 s1, $0x3  }
0xe3: {  	s17 =	rddreg [dreg:$0x15];
	s1 =	sadd.s32 s3, s1  }
0xe4: {  	[hbm:s17@s8], [sflag:s9] =	dma.strided [hbm:s1@s8], $0x1880, s7, $0x10   }
0xe5: {  	_ =	swait.ge [sflag:s7], $0x1880  }
0xe6: {  	(v2sf) =	vpush v61, $0x1;
	_ =	sdelay $0xe  }
0xe7: {  	s18 =	spop (v2sf)  }
0xe8: {  	s19 =	sshrl.u32 s18, $0x3  }
0xe9: {  	s1 =	sshll.u32 s18, $0x7;
	s10 =	smul.u32 $0x62000, s19  }
0xea: {  	s1 =	sand.u32 $0x380, s1  }
0xeb: {  	s1 =	sor.u32 s1, s10  }
0xec: {  	[sflag:s7] =	ssyncset.done $0x0;
	s1 =	sshrl.u32 s1, $0x3  }
0xed: {  	s20 =	rddreg [dreg:$0x16];
	[sflag:s7] =	ssyncadd.s32 $0xFFFFE780;
	s1 =	sadd.s32 s3, s1  }
0xee: {  	[hbm:s20@s8], [sflag:s9] =	dma.strided [hbm:s1@s8], $0x1880, s7, $0x10   }
0xef: {  	_ =	swait.ge [sflag:s7], $0x1880  }
0xf0: {  	(v2sf) =	vpush v61, $0x2;
	_ =	sdelay $0xe  }
0xf1: {  	s21 =	spop (v2sf)  }
0xf2: {  	s22 =	sshrl.u32 s21, $0x3  }
0xf3: {  	s1 =	sshll.u32 s21, $0x7;
	s10 =	smul.u32 $0x62000, s22  }
0xf4: {  	s1 =	sand.u32 $0x380, s1  }
0xf5: {  	s1 =	sor.u32 s1, s10  }
0xf6: {  	[sflag:s7] =	ssyncset.done $0x0;
	s1 =	sshrl.u32 s1, $0x3  }
0xf7: {  	s23 =	rddreg [dreg:$0x17];
	[sflag:s7] =	ssyncadd.s32 $0xFFFFE780;
	s1 =	sadd.s32 s3, s1  }
0xf8: {  	[hbm:s23@s8], [sflag:s9] =	dma.strided [hbm:s1@s8], $0x1880, s7, $0x10   }
0xf9: {  	_ =	swait.ge [sflag:s7], $0x1880  }
0xfa: {  	(v2sf) =	vpush v61, $0x3;
	_ =	sdelay $0xe  }
0xfb: {  	s24 =	spop (v2sf)  }
0xfc: {  	s25 =	sshrl.u32 s24, $0x3  }
0xfd: {  	s1 =	sshll.u32 s24, $0x7;
	s10 =	smul.u32 $0x62000, s25  }
0xfe: {  	s1 =	sand.u32 $0x380, s1  }
0xff: {  	s1 =	sor.u32 s1, s10  }
0x100: {  	[sflag:s7] =	ssyncset.done $0x0;
	s1 =	sshrl.u32 s1, $0x3  }
0x101: {  	s26 =	rddreg [dreg:$0x18];
	[sflag:s7] =	ssyncadd.s32 $0xFFFFE780;
	s1 =	sadd.s32 s3, s1  }
0x102: {  	[hbm:s26@s8], [sflag:s9] =	dma.strided [hbm:s1@s8], $0x1880, s7, $0x10   }
0x103: {  	_ =	swait.ge [sflag:s7], $0x1880  }
0x104: {  	(v2sf) =	vpush v61, $0x4;
	_ =	sdelay $0xe  }
0x105: {  	s28 =	spop (v2sf)  }
0x106: {  	s29 =	sshrl.u32 s28, $0x3  }
0x107: {  	s1 =	sshll.u32 s28, $0x7;
	s10 =	smul.u32 $0x62000, s29  }
0x108: {  	s1 =	sand.u32 $0x380, s1  }
0x109: {  	s1 =	sor.u32 s1, s10  }
0x10a: {  	[sflag:s7] =	ssyncset.done $0x0;
	s1 =	sshrl.u32 s1, $0x3  }
0x10b: {  	s30 =	rddreg [dreg:$0x19];
	[sflag:s7] =	ssyncadd.s32 $0xFFFFE780;
	s1 =	sadd.s32 s3, s1  }
0x10c: {  	[hbm:s30@s8], [sflag:s9] =	dma.strided [hbm:s1@s8], $0x1880, s7, $0x10   }
0x10d: {  	_ =	swait.ge [sflag:s7], $0x1880  }
0x10e: {  	(v2sf) =	vpush v61, $0x5;
	_ =	sdelay $0xe  }
0x10f: {  	s31 =	spop (v2sf)  }
0x110: {  	s11 =	sshrl.u32 s31, $0x3  }
0x111: {  	s1 =	sshll.u32 s31, $0x7;
	s10 =	smul.u32 $0x62000, s11  }
0x112: {  	s1 =	sand.u32 $0x380, s1  }
0x113: {  	s1 =	sor.u32 s1, s10  }
0x114: {  	[sflag:s7] =	ssyncset.done $0x0;
	s1 =	sshrl.u32 s1, $0x3  }
0x115: {  	s12 =	rddreg [dreg:$0x1a];
	[sflag:s7] =	ssyncadd.s32 $0xFFFFE780;
	s1 =	sadd.s32 s3, s1  }
0x116: {  	[hbm:s12@s8], [sflag:s9] =	dma.strided [hbm:s1@s8], $0x1880, s7, $0x10   }
0x117: {  	_ =	swait.ge [sflag:s7], $0x1880  }
0x118: {  	(v2sf) =	vpush v61, $0x6;
	_ =	sdelay $0xe  }
0x119: {  	s13 =	spop (v2sf)  }
0x11a: {  	s14 =	sshrl.u32 s13, $0x3  }
0x11b: {  	s1 =	sshll.u32 s13, $0x7;
	s10 =	smul.u32 $0x62000, s14  }
0x11c: {  	s1 =	sand.u32 $0x380, s1  }
0x11d: {  	s1 =	sor.u32 s1, s10  }
0x11e: {  	[sflag:s7] =	ssyncset.done $0x0;
	s1 =	sshrl.u32 s1, $0x3  }
0x11f: {  	s15 =	rddreg [dreg:$0x1b];
	[sflag:s7] =	ssyncadd.s32 $0xFFFFE780;
	s1 =	sadd.s32 s3, s1  }
0x120: {  	[hbm:s15@s8], [sflag:s9] =	dma.strided [hbm:s1@s8], $0x1880, s7, $0x10   }
0x121: {  	_ =	swait.ge [sflag:s7], $0x1880  }
0x122: {  	(v2sf) =	vpush v61, $0x7;
	_ =	sdelay $0xe  }
0x123: {  	s16 =	spop (v2sf)  }
0x124: {  	s17 =	sshrl.u32 s16, $0x3  }
0x125: {  	s1 =	sshll.u32 s16, $0x7;
	s10 =	smul.u32 $0x62000, s17  }
0x126: {  	s1 =	sand.u32 $0x380, s1  }
0x127: {  	s1 =	sor.u32 s1, s10  }
0x128: {  	[sflag:s7] =	ssyncset.done $0x0;
	s1 =	sshrl.u32 s1, $0x3  }
0x129: {  	s18 =	rddreg [dreg:$0x1c];
	[sflag:s7] =	ssyncadd.s32 $0xFFFFE780;
	s1 =	sadd.s32 s3, s1  }
0x12a: {  	[hbm:s18@s8], [sflag:s9] =	dma.strided [hbm:s1@s8], $0x1880, s7, $0x10   }
0x12b: {  	_ =	swait.ge [sflag:s7], $0x1880  }
0x12c: {  	[sflag:s7] =	ssyncset.done $0x0  }
0x12d: {  	[sflag:s7] =	ssyncadd.s32 $0xFFFFE780  }
0x12e: {  	v62 =	vld [tilespmem:s4+$0x600];
	_ =	sdelay $0x4  }
0x12f: {  	(v2sf) =	vpush v62, $0x0;
	_ =	sdelay $0xe  }
0x130: {  	s19 =	spop (v2sf)  }
0x131: {  	s20 =	sshrl.u32 s19, $0x3  }
0x132: {  	s1 =	sshll.u32 s19, $0x7;
	s10 =	smul.u32 $0x62000, s20  }
0x133: {  	s1 =	sand.u32 $0x380, s1  }
0x134: {  	s1 =	sor.u32 s1, s10  }
0x135: {  	s1 =	sshrl.u32 s1, $0x3  }
0x136: {  	s21 =	rddreg [dreg:$0x1d];
	s1 =	sadd.s32 s3, s1  }
0x137: {  	[hbm:s21@s8], [sflag:s9] =	dma.strided [hbm:s1@s8], $0x1880, s7, $0x10   }
0x138: {  	_ =	swait.ge [sflag:s7], $0x1880  }
0x139: {  	(v2sf) =	vpush v62, $0x1;
	_ =	sdelay $0xe  }
0x13a: {  	s22 =	spop (v2sf)  }
0x13b: {  	s23 =	sshrl.u32 s22, $0x3  }
0x13c: {  	s1 =	sshll.u32 s22, $0x7;
	s10 =	smul.u32 $0x62000, s23  }
0x13d: {  	s1 =	sand.u32 $0x380, s1  }
0x13e: {  	s1 =	sor.u32 s1, s10  }
0x13f: {  	[sflag:s7] =	ssyncset.done $0x0;
	s1 =	sshrl.u32 s1, $0x3  }
0x140: {  	s24 =	rddreg [dreg:$0x1e];
	[sflag:s7] =	ssyncadd.s32 $0xFFFFE780;
	s1 =	sadd.s32 s3, s1  }
0x141: {  	[hbm:s24@s8], [sflag:s9] =	dma.strided [hbm:s1@s8], $0x1880, s7, $0x10   }
0x142: {  	_ =	swait.ge [sflag:s7], $0x1880  }
0x143: {  	(v2sf) =	vpush v62, $0x2;
	_ =	sdelay $0xe  }
0x144: {  	s25 =	spop (v2sf)  }
0x145: {  	s26 =	sshrl.u32 s25, $0x3  }
0x146: {  	s1 =	sshll.u32 s25, $0x7;
	s10 =	smul.u32 $0x62000, s26  }
0x147: {  	s1 =	sand.u32 $0x380, s1  }
0x148: {  	s1 =	sor.u32 s1, s10  }
0x149: {  	[sflag:s7] =	ssyncset.done $0x0;
	s1 =	sshrl.u32 s1, $0x3  }
0x14a: {  	s28 =	rddreg [dreg:$0x1f];
	[sflag:s7] =	ssyncadd.s32 $0xFFFFE780;
	s1 =	sadd.s32 s3, s1  }
0x14b: {  	[hbm:s28@s8], [sflag:s9] =	dma.strided [hbm:s1@s8], $0x1880, s7, $0x10   }
0x14c: {  	_ =	swait.ge [sflag:s7], $0x1880  }
0x14d: {  	(v2sf) =	vpush v62, $0x3;
	_ =	sdelay $0xe  }
0x14e: {  	s29 =	spop (v2sf)  }
0x14f: {  	s30 =	sshrl.u32 s29, $0x3  }
0x150: {  	s1 =	sshll.u32 s29, $0x7;
	s10 =	smul.u32 $0x62000, s30  }
0x151: {  	s1 =	sand.u32 $0x380, s1  }
0x152: {  	s31 =	sld [smem:$0x7E9];
	s1 =	sor.u32 s1, s10  }
0x153: {  	[sflag:s7] =	ssyncset.done $0x0;
	s1 =	sshrl.u32 s1, $0x3  }
0x154: {  	[sflag:s7] =	ssyncadd.s32 $0xFFFFE780;
	s1 =	sadd.s32 s3, s1  }
0x155: {  	[hbm:s31@s8], [sflag:s9] =	dma.strided [hbm:s1@s8], $0x1880, s7, $0x10   }
0x156: {  	_ =	swait.ge [sflag:s7], $0x1880  }
0x157: {  	(v2sf) =	vpush v62, $0x4;
	_ =	sdelay $0xe  }
0x158: {  	s11 =	spop (v2sf)  }
0x159: {  	s12 =	sshrl.u32 s11, $0x3  }
0x15a: {  	s1 =	sshll.u32 s11, $0x7;
	s10 =	smul.u32 $0x62000, s12  }
0x15b: {  	s1 =	sand.u32 $0x380, s1  }
0x15c: {  	s13 =	sld [smem:$0x7EA];
	s1 =	sor.u32 s1, s10  }
0x15d: {  	[sflag:s7] =	ssyncset.done $0x0;
	s1 =	sshrl.u32 s1, $0x3  }
0x15e: {  	[sflag:s7] =	ssyncadd.s32 $0xFFFFE780;
	s1 =	sadd.s32 s3, s1  }
0x15f: {  	[hbm:s13@s8], [sflag:s9] =	dma.strided [hbm:s1@s8], $0x1880, s7, $0x10   }
0x160: {  	_ =	swait.ge [sflag:s7], $0x1880  }
0x161: {  	(v2sf) =	vpush v62, $0x5;
	_ =	sdelay $0xe  }
0x162: {  	s14 =	spop (v2sf)  }
0x163: {  	s15 =	sshrl.u32 s14, $0x3  }
0x164: {  	s1 =	sshll.u32 s14, $0x7;
	s10 =	smul.u32 $0x62000, s15  }
0x165: {  	s1 =	sand.u32 $0x380, s1  }
0x166: {  	s16 =	sld [smem:$0x7EB];
	s1 =	sor.u32 s1, s10  }
0x167: {  	[sflag:s7] =	ssyncset.done $0x0;
	s1 =	sshrl.u32 s1, $0x3  }
0x168: {  	[sflag:s7] =	ssyncadd.s32 $0xFFFFE780;
	s1 =	sadd.s32 s3, s1  }
0x169: {  	[hbm:s16@s8], [sflag:s9] =	dma.strided [hbm:s1@s8], $0x1880, s7, $0x10   }
0x16a: {  	_ =	swait.ge [sflag:s7], $0x1880  }
0x16b: {  	(v2sf) =	vpush v62, $0x6;
	_ =	sdelay $0xe  }
0x16c: {  	s17 =	spop (v2sf)  }
0x16d: {  	s18 =	sshrl.u32 s17, $0x3  }
0x16e: {  	s1 =	sshll.u32 s17, $0x7;
	s10 =	smul.u32 $0x62000, s18  }
0x16f: {  	s1 =	sand.u32 $0x380, s1  }
0x170: {  	s19 =	sld [smem:$0x7EC];
	s1 =	sor.u32 s1, s10  }
0x171: {  	[sflag:s7] =	ssyncset.done $0x0;
	s1 =	sshrl.u32 s1, $0x3  }
0x172: {  	[sflag:s7] =	ssyncadd.s32 $0xFFFFE780;
	s1 =	sadd.s32 s3, s1  }
0x173: {  	[hbm:s19@s8], [sflag:s9] =	dma.strided [hbm:s1@s8], $0x1880, s7, $0x10   }
0x174: {  	_ =	swait.ge [sflag:s7], $0x1880  }
0x175: {  	(v2sf) =	vpush v62, $0x7;
	_ =	sdelay $0xe  }
0x176: {  	s20 =	spop (v2sf)  }
0x177: {  	s21 =	sshrl.u32 s20, $0x3  }
0x178: {  	s1 =	sshll.u32 s20, $0x7;
	s10 =	smul.u32 $0x62000, s21  }
0x179: {  	s1 =	sand.u32 $0x380, s1  }
0x17a: {  	s22 =	sld [smem:$0x7ED];
	s1 =	sor.u32 s1, s10  }
0x17b: {  	[sflag:s7] =	ssyncset.done $0x0;
	s1 =	sshrl.u32 s1, $0x3  }
0x17c: {  	[sflag:s7] =	ssyncadd.s32 $0xFFFFE780;
	s1 =	sadd.s32 s3, s1  }
0x17d: {  	[hbm:s22@s8], [sflag:s9] =	dma.strided [hbm:s1@s8], $0x1880, s7, $0x10   }
0x17e: {  	_ =	swait.ge [sflag:s7], $0x1880  }
0x17f: {  	(v2sf) =	vpush v62, $0x8;
	_ =	sdelay $0xe  }
0x180: {  	s23 =	spop (v2sf)  }
0x181: {  	s24 =	sshrl.u32 s23, $0x3  }
0x182: {  	s1 =	sshll.u32 s23, $0x7;
	s10 =	smul.u32 $0x62000, s24  }
0x183: {  	s1 =	sand.u32 $0x380, s1  }
0x184: {  	s25 =	sld [smem:$0x7EE];
	s1 =	sor.u32 s1, s10  }
0x185: {  	[sflag:s7] =	ssyncset.done $0x0;
	s1 =	sshrl.u32 s1, $0x3  }
0x186: {  	[sflag:s7] =	ssyncadd.s32 $0xFFFFE780;
	s1 =	sadd.s32 s3, s1  }
0x187: {  	[hbm:s25@s8], [sflag:s9] =	dma.strided [hbm:s1@s8], $0x1880, s7, $0x10   }
0x188: {  	_ =	swait.ge [sflag:s7], $0x1880  }
0x189: {  	(v2sf) =	vpush v62, $0x9;
	_ =	sdelay $0xe  }
0x18a: {  	s26 =	spop (v2sf)  }
0x18b: {  	s28 =	sshrl.u32 s26, $0x3  }
0x18c: {  	s1 =	sshll.u32 s26, $0x7;
	s10 =	smul.u32 $0x62000, s28  }
0x18d: {  	s1 =	sand.u32 $0x380, s1  }
0x18e: {  	s29 =	sld [smem:$0x7EF];
	s1 =	sor.u32 s1, s10  }
0x18f: {  	[sflag:s7] =	ssyncset.done $0x0;
	s1 =	sshrl.u32 s1, $0x3  }
0x190: {  	[sflag:s7] =	ssyncadd.s32 $0xFFFFE780;
	s1 =	sadd.s32 s3, s1  }
0x191: {  	[hbm:s29@s8], [sflag:s9] =	dma.strided [hbm:s1@s8], $0x1880, s7, $0x10   }
0x192: {  	_ =	swait.ge [sflag:s7], $0x1880  }
0x193: {  	(v2sf) =	vpush v62, $0xA;
	_ =	sdelay $0xe  }
0x194: {  	s30 =	spop (v2sf)  }
0x195: {  	s31 =	sshrl.u32 s30, $0x3  }
0x196: {  	s1 =	sshll.u32 s30, $0x7;
	s10 =	smul.u32 $0x62000, s31  }
0x197: {  	s1 =	sand.u32 $0x380, s1  }
0x198: {  	s11 =	sld [smem:$0x7F0];
	s1 =	sor.u32 s1, s10  }
0x199: {  	[sflag:s7] =	ssyncset.done $0x0;
	s1 =	sshrl.u32 s1, $0x3  }
0x19a: {  	[sflag:s7] =	ssyncadd.s32 $0xFFFFE780;
	s1 =	sadd.s32 s3, s1  }
0x19b: {  	[hbm:s11@s8], [sflag:s9] =	dma.strided [hbm:s1@s8], $0x1880, s7, $0x10   }
0x19c: {  	_ =	swait.ge [sflag:s7], $0x1880  }
0x19d: {  	(v2sf) =	vpush v62, $0xB;
	_ =	sdelay $0xe  }
0x19e: {  	s12 =	spop (v2sf)  }
0x19f: {  	s13 =	sshrl.u32 s12, $0x3  }
0x1a0: {  	s1 =	sshll.u32 s12, $0x7;
	s10 =	smul.u32 $0x62000, s13  }
0x1a1: {  	s1 =	sand.u32 $0x380, s1  }
0x1a2: {  	s14 =	sld [smem:$0x7F1];
	s1 =	sor.u32 s1, s10  }
0x1a3: {  	[sflag:s7] =	ssyncset.done $0x0;
	s1 =	sshrl.u32 s1, $0x3  }
0x1a4: {  	[sflag:s7] =	ssyncadd.s32 $0xFFFFE780;
	s1 =	sadd.s32 s3, s1  }
0x1a5: {  	[hbm:s14@s8], [sflag:s9] =	dma.strided [hbm:s1@s8], $0x1880, s7, $0x10   }
0x1a6: {  	_ =	swait.ge [sflag:s7], $0x1880  }
0x1a7: {  	(v2sf) =	vpush v62, $0xC;
	_ =	sdelay $0xe  }
0x1a8: {  	s15 =	spop (v2sf)  }
0x1a9: {  	s16 =	sshrl.u32 s15, $0x3  }
0x1aa: {  	s1 =	sshll.u32 s15, $0x7;
	s10 =	smul.u32 $0x62000, s16  }
0x1ab: {  	s1 =	sand.u32 $0x380, s1  }
0x1ac: {  	s17 =	sld [smem:$0x7F2];
	s1 =	sor.u32 s1, s10  }
0x1ad: {  	[sflag:s7] =	ssyncset.done $0x0;
	s1 =	sshrl.u32 s1, $0x3  }
0x1ae: {  	[sflag:s7] =	ssyncadd.s32 $0xFFFFE780;
	s1 =	sadd.s32 s3, s1  }
0x1af: {  	[hbm:s17@s8], [sflag:s9] =	dma.strided [hbm:s1@s8], $0x1880, s7, $0x10   }
0x1b0: {  	_ =	swait.ge [sflag:s7], $0x1880  }
0x1b1: {  	(v2sf) =	vpush v62, $0xD;
	_ =	sdelay $0xe  }
0x1b2: {  	s18 =	spop (v2sf)  }
0x1b3: {  	s19 =	sshrl.u32 s18, $0x3  }
0x1b4: {  	s1 =	sshll.u32 s18, $0x7;
	s10 =	smul.u32 $0x62000, s19  }
0x1b5: {  	s1 =	sand.u32 $0x380, s1  }
0x1b6: {  	s20 =	sld [smem:$0x7F3];
	s1 =	sor.u32 s1, s10  }
0x1b7: {  	[sflag:s7] =	ssyncset.done $0x0;
	s1 =	sshrl.u32 s1, $0x3  }
0x1b8: {  	[sflag:s7] =	ssyncadd.s32 $0xFFFFE780;
	s1 =	sadd.s32 s3, s1  }
0x1b9: {  	[hbm:s20@s8], [sflag:s9] =	dma.strided [hbm:s1@s8], $0x1880, s7, $0x10   }
0x1ba: {  	_ =	swait.ge [sflag:s7], $0x1880  }
0x1bb: {  	(v2sf) =	vpush v62, $0xE;
	_ =	sdelay $0xe  }
0x1bc: {  	s21 =	spop (v2sf)  }
0x1bd: {  	s22 =	sshrl.u32 s21, $0x3  }
0x1be: {  	s1 =	sshll.u32 s21, $0x7;
	s10 =	smul.u32 $0x62000, s22  }
0x1bf: {  	s1 =	sand.u32 $0x380, s1  }
0x1c0: {  	s23 =	sld [smem:$0x7F4];
	s1 =	sor.u32 s1, s10  }
0x1c1: {  	[sflag:s7] =	ssyncset.done $0x0;
	s1 =	sshrl.u32 s1, $0x3  }
0x1c2: {  	[sflag:s7] =	ssyncadd.s32 $0xFFFFE780;
	s1 =	sadd.s32 s3, s1  }
0x1c3: {  	[hbm:s23@s8], [sflag:s9] =	dma.strided [hbm:s1@s8], $0x1880, s7, $0x10   }
0x1c4: {  	_ =	swait.ge [sflag:s7], $0x1880  }
0x1c5: {  	(v2sf) =	vpush v62, $0xF;
	_ =	sdelay $0xe  }
0x1c6: {  	s24 =	spop (v2sf)  }
0x1c7: {  	s25 =	sshrl.u32 s24, $0x3  }
0x1c8: {  	s1 =	sshll.u32 s24, $0x7;
	s10 =	smul.u32 $0x62000, s25  }
0x1c9: {  	s1 =	sand.u32 $0x380, s1  }
0x1ca: {  	s26 =	sld [smem:$0x7F5];
	s1 =	sor.u32 s1, s10  }
0x1cb: {  	[sflag:s7] =	ssyncset.done $0x0;
	s1 =	sshrl.u32 s1, $0x3  }
0x1cc: {  	[sflag:s7] =	ssyncadd.s32 $0xFFFFE780;
	s1 =	sadd.s32 s3, s1  }
0x1cd: {  	[hbm:s26@s8], [sflag:s9] =	dma.strided [hbm:s1@s8], $0x1880, s7, $0x10   }
0x1ce: {  	_ =	swait.ge [sflag:s7], $0x1880  }
0x1cf: {  	[sflag:s7] =	ssyncset.done $0x0  }
0x1d0: {  	[sflag:s7] =	ssyncadd.s32 $0xFFFFE780  }
0x1d1: {  	v63 =	vld [tilespmem:s4+$0x610];
	_ =	sdelay $0x4  }
0x1d2: {  	(v2sf) =	vpush v63, $0x0;
	_ =	sdelay $0xe  }
0x1d3: {  	s28 =	spop (v2sf)  }
0x1d4: {  	s29 =	sshrl.u32 s28, $0x3  }
0x1d5: {  	s1 =	sshll.u32 s28, $0x7;
	s10 =	smul.u32 $0x62000, s29  }
0x1d6: {  	s1 =	sand.u32 $0x380, s1  }
0x1d7: {  	s30 =	sld [smem:$0x7F6];
	s1 =	sor.u32 s1, s10  }
0x1d8: {  	s1 =	sshrl.u32 s1, $0x3  }
0x1d9: {  	s1 =	sadd.s32 s3, s1  }
0x1da: {  	[hbm:s30@s8], [sflag:s9] =	dma.strided [hbm:s1@s8], $0x1880, s7, $0x10   }
0x1db: {  	_ =	swait.ge [sflag:s7], $0x1880  }
0x1dc: {  	(v2sf) =	vpush v63, $0x1;
	_ =	sdelay $0xe  }
0x1dd: {  	s31 =	spop (v2sf)  }
0x1de: {  	s11 =	sshrl.u32 s31, $0x3  }
0x1df: {  	s1 =	sshll.u32 s31, $0x7;
	s10 =	smul.u32 $0x62000, s11  }
0x1e0: {  	s1 =	sand.u32 $0x380, s1  }
0x1e1: {  	s12 =	sld [smem:$0x7F7];
	s1 =	sor.u32 s1, s10  }
0x1e2: {  	[sflag:s7] =	ssyncset.done $0x0;
	s1 =	sshrl.u32 s1, $0x3  }
0x1e3: {  	[sflag:s7] =	ssyncadd.s32 $0xFFFFE780;
	s1 =	sadd.s32 s3, s1  }
0x1e4: {  	[hbm:s12@s8], [sflag:s9] =	dma.strided [hbm:s1@s8], $0x1880, s7, $0x10   }
0x1e5: {  	_ =	swait.ge [sflag:s7], $0x1880  }
0x1e6: {  	(v2sf) =	vpush v63, $0x2;
	_ =	sdelay $0xe  }
0x1e7: {  	s13 =	spop (v2sf)  }
0x1e8: {  	s14 =	sshrl.u32 s13, $0x3  }
0x1e9: {  	s1 =	sshll.u32 s13, $0x7;
	s10 =	smul.u32 $0x62000, s14  }
0x1ea: {  	s1 =	sand.u32 $0x380, s1  }
0x1eb: {  	s15 =	sld [smem:$0x7F8];
	s1 =	sor.u32 s1, s10  }
0x1ec: {  	[sflag:s7] =	ssyncset.done $0x0;
	s1 =	sshrl.u32 s1, $0x3  }
0x1ed: {  	[sflag:s7] =	ssyncadd.s32 $0xFFFFE780;
	s1 =	sadd.s32 s3, s1  }
0x1ee: {  	[hbm:s15@s8], [sflag:s9] =	dma.strided [hbm:s1@s8], $0x1880, s7, $0x10   }
0x1ef: {  	_ =	swait.ge [sflag:s7], $0x1880  }
0x1f0: {  	(v2sf) =	vpush v63, $0x3;
	_ =	sdelay $0xe  }
0x1f1: {  	s16 =	spop (v2sf)  }
0x1f2: {  	s17 =	sshrl.u32 s16, $0x3  }
0x1f3: {  	s1 =	sshll.u32 s16, $0x7;
	s10 =	smul.u32 $0x62000, s17  }
0x1f4: {  	s1 =	sand.u32 $0x380, s1  }
0x1f5: {  	s18 =	sld [smem:$0x7F9];
	s1 =	sor.u32 s1, s10  }
0x1f6: {  	[sflag:s7] =	ssyncset.done $0x0;
	s1 =	sshrl.u32 s1, $0x3  }
0x1f7: {  	[sflag:s7] =	ssyncadd.s32 $0xFFFFE780;
	s1 =	sadd.s32 s3, s1  }
0x1f8: {  	[hbm:s18@s8], [sflag:s9] =	dma.strided [hbm:s1@s8], $0x1880, s7, $0x10   }
0x1f9: {  	_ =	swait.ge [sflag:s7], $0x1880  }
0x1fa: {  	(v2sf) =	vpush v63, $0x4;
	_ =	sdelay $0xe  }
0x1fb: {  	s19 =	spop (v2sf)  }
0x1fc: {  	s20 =	sshrl.u32 s19, $0x3  }
0x1fd: {  	s1 =	sshll.u32 s19, $0x7;
	s10 =	smul.u32 $0x62000, s20  }
0x1fe: {  	s1 =	sand.u32 $0x380, s1  }
0x1ff: {  	s21 =	sld [smem:$0x7FA];
	s1 =	sor.u32 s1, s10  }
0x200: {  	[sflag:s7] =	ssyncset.done $0x0;
	s1 =	sshrl.u32 s1, $0x3  }
0x201: {  	[sflag:s7] =	ssyncadd.s32 $0xFFFFE780;
	s1 =	sadd.s32 s3, s1  }
0x202: {  	[hbm:s21@s8], [sflag:s9] =	dma.strided [hbm:s1@s8], $0x1880, s7, $0x10   }
0x203: {  	_ =	swait.ge [sflag:s7], $0x1880  }
0x204: {  	(v2sf) =	vpush v63, $0x5;
	_ =	sdelay $0xe  }
0x205: {  	s22 =	spop (v2sf)  }
0x206: {  	s23 =	sshrl.u32 s22, $0x3  }
0x207: {  	s1 =	sshll.u32 s22, $0x7;
	s10 =	smul.u32 $0x62000, s23  }
0x208: {  	s1 =	sand.u32 $0x380, s1  }
0x209: {  	s24 =	sld [smem:$0x7FB];
	s1 =	sor.u32 s1, s10  }
0x20a: {  	[sflag:s7] =	ssyncset.done $0x0;
	s1 =	sshrl.u32 s1, $0x3  }
0x20b: {  	[sflag:s7] =	ssyncadd.s32 $0xFFFFE780;
	s1 =	sadd.s32 s3, s1  }
0x20c: {  	[hbm:s24@s8], [sflag:s9] =	dma.strided [hbm:s1@s8], $0x1880, s7, $0x10   }
0x20d: {  	_ =	swait.ge [sflag:s7], $0x1880  }
0x20e: {  	(v2sf) =	vpush v63, $0x6;
	_ =	sdelay $0xe  }
0x20f: {  	s25 =	spop (v2sf)  }
0x210: {  	s26 =	sshrl.u32 s25, $0x3  }
0x211: {  	s1 =	sshll.u32 s25, $0x7;
	s10 =	smul.u32 $0x62000, s26  }
0x212: {  	s1 =	sand.u32 $0x380, s1  }
0x213: {  	s28 =	sld [smem:$0x7FC];
	s1 =	sor.u32 s1, s10  }
0x214: {  	[sflag:s7] =	ssyncset.done $0x0;
	s1 =	sshrl.u32 s1, $0x3  }
0x215: {  	[sflag:s7] =	ssyncadd.s32 $0xFFFFE780;
	s1 =	sadd.s32 s3, s1  }
0x216: {  	[hbm:s28@s8], [sflag:s9] =	dma.strided [hbm:s1@s8], $0x1880, s7, $0x10   }
0x217: {  	_ =	swait.ge [sflag:s7], $0x1880  }
0x218: {  	(v2sf) =	vpush v63, $0x7;
	_ =	sdelay $0xe  }
0x219: {  	s29 =	spop (v2sf)  }
0x21a: {  	s30 =	sshrl.u32 s29, $0x3  }
0x21b: {  	s1 =	sshll.u32 s29, $0x7;
	s10 =	smul.u32 $0x62000, s30  }
0x21c: {  	s1 =	sand.u32 $0x380, s1  }
0x21d: {  	s31 =	sld [smem:$0x7FD];
	s1 =	sor.u32 s1, s10  }
0x21e: {  	[sflag:s7] =	ssyncset.done $0x0;
	s1 =	sshrl.u32 s1, $0x3  }
0x21f: {  	[sflag:s7] =	ssyncadd.s32 $0xFFFFE780;
	s1 =	sadd.s32 s3, s1  }
0x220: {  	[hbm:s31@s8], [sflag:s9] =	dma.strided [hbm:s1@s8], $0x1880, s7, $0x10   }
0x221: {  	_ =	swait.ge [sflag:s7], $0x1880  }
0x222: {  	[sflag:s7] =	ssyncset.done $0x0  }
0x223: {  	[sflag:s7] =	ssyncadd.s32 $0xFFFFE780  }
0x224: {  	_ =	swait.ge [sflag:s7], $0x1880  }
0x225: {  	[sflag:s7] =	ssyncset.done $0x0  }
0x226: {  	[sflag:s7] =	ssyncadd.s32 $0xFFFFE780  }
0x227: {  	_ =	swait.ge [sflag:s7], $0x1880  }
0x228: {  	[sflag:s7] =	ssyncset.done $0x0  }
0x229: {  	[sflag:s7] =	ssyncadd.s32 $0xFFFFE780  }
0x22a: {  	_ =	swait.ge [sflag:s7], $0x1880  }
0x22b: {  	[sflag:s7] =	ssyncset.done $0x0  }
0x22c: {  	[sflag:s7] =	ssyncadd.s32 $0xFFFFE780  }
0x22d: {  	_ =	swait.ge [sflag:s7], $0x1880  }
0x22e: {  	[sflag:s7] =	ssyncset.done $0x0  }
0x22f: {  	[sflag:s7] =	ssyncadd.s32 $0xFFFFE780  }
0x230: {  	_ =	swait.ge [sflag:s7], $0x1880  }
0x231: {  	[sflag:s7] =	ssyncset.done $0x0  }
0x232: {  	[sflag:s7] =	ssyncadd.s32 $0xFFFFE780  }
0x233: {  	_ =	swait.ge [sflag:s7], $0x1880  }
0x234: {  	[sflag:s7] =	ssyncset.done $0x0  }
0x235: {  	[sflag:s7] =	ssyncadd.s32 $0xFFFFE780  }
0x236: {  	p0 =	sne.s32 s5, $0x1;
	_ =	swait.ge [sflag:s7], $0x1880  }
.Ltmp0:
0x237: {  	[sflag:s7] =	ssyncset.done $0x0;
	(pc) =	sbr.rel @p0 .LBB2_1-.Ltmp0, $4  }
0x238: {  	[sflag:s7] =	ssyncadd.s32 $0xFFFFE780  }
0x239: {  	_ =	swait.ge [sflag:s7], $0x1880  }
0x23a: {  	[sflag:s7] =	ssyncset.done $0x0  }
0x23b: {  	s5 =	sadd.s32 $0xFFFFFFFF, s5;
	[sflag:s7] =	ssyncadd.s32 $0xFFFFE780  }
0x23c: {  	_ =	sfence.sel $0x180000  }
0x23d: {  	[bflag:$0x0] =	sbarrier.arrive $0xFFFF  }
0x23e: {  	_ =	strace $0x90000047  }
0x23f: {  	[bflag:$0x2] =	sbarrier.arrive $0xFFFF  }
0x240: {  	p0 =	sne.s32 s0, $0x0;
	s0 =	rddreg [dreg:$0x3]  }
0x241: {  	s0 =	sadd.s32 @!p0 $0x100000, s0  }
0x242: {  	[sflag:s0] =	ssyncadd.tile.s32 @!p0 $0x1;
	_ =	shalt  }
.Lfunc_end2:
_tile_overlayer_lowered:
.L_overlay_start_2:
0x243: {  	(tag) =	ssettag $0x2  }
0x244: {  	s0 =	rddreg [dreg:$0x0];
	s2 =	stileid.u32  }
0x245: {  	s1 =	rddreg [dreg:$0x1];
	p0 =	sne.s32 s2, $0x0  }
0x246: {  	s3 =	rddreg [dreg:$0x2];
	[bflag:$0x3] =	sbarrier.arrive $0xFFFF;
	s2 =	simm.s32 @!p0 $0x1C02  }
0x247: {  	[timem:s3], [sflag:s2] =	dma.local @!p0 [hbm:s0], s1  }
0x248: {  	s0 =	simm.s32 @!p0 $0x2  }
0x249: {  	_ =	swait.ge @!p0 [sflag:s0], s1  }
0x24a: {  	s1 =	ssub.s32 @!p0 $0x0, s1;
	[sflag:s0] =	ssyncset.done @!p0 $0x0  }
0x24b: {  	[sflag:s0] =	ssyncadd.s32 @!p0 s1  }
0x24c: {  	[bflag:$0x3] =	sbarrier.arrive $0xFFFF  }
0x24d: {  	_ =	shalt  }

</sc_bundles>
